<compile_context>
chip_gen: v7x
topology: tpu7x:2x2x1
jax: 0.10.2.dev20260603
libtpu: 0.0.44.dev20260713+nightly
codegen_flags: <defaults>
</compile_context>

<pallas_src>
import functools
import math

import jax
import jax.numpy as jnp
from jax import lax
from jax.experimental import pallas as pl
from jax.experimental.pallas import tpu as pltpu
from jax.experimental.pallas import tpu_sc as plsc

_BATCH = 1024
_EMB = 128
_N = 100000
_S = 64.0
_M2 = 0.5
_EPS = 1e-7

_CB = 7168
_GRID = (_N + _CB - 1) // _CB

_COS_M = math.cos(_M2)
_SIN_M = math.sin(_M2)
_T_LO = math.cos(math.pi - _M2 - _EPS)
_COS_PI_EPS = math.cos(math.pi - _EPS)
_LOG_CLIP = math.log(1e-30)
_LN2 = math.log(2.0)
_C = _S / _LN2
_PAD_ROWS = float(_GRID * _CB - _N)


def _stream_kernel(emb_ref, w_ref, s_ref, ne_scr):
    b = pl.program_id(0)

    @pl.when(b == 0)
    def _init():
        e = emb_ref[...]
        nrm = jnp.sqrt(jnp.sum(e * e, axis=1, keepdims=True))
        ne_scr[...] = (_C * e) / jnp.maximum(nrm, 1e-12)
        s_ref[...] = jnp.zeros((_BATCH, _EMB), jnp.float32)

    rows = b * _CB + jax.lax.broadcasted_iota(jnp.int32, (_CB, 1), 0)
    w = jnp.where(rows < _N, w_ref[...], 0.0)
    ones8 = jnp.ones((8, _EMB), jnp.float32)
    wn2r = jax.lax.dot_general(
        ones8, w * w,
        (((1,), (1,)), ((), ())),
        preferred_element_type=jnp.float32,
    )
    inv = jax.lax.rsqrt(jnp.maximum(wn2r[0:1, :], 1e-24))
    l2 = jax.lax.dot_general(
        ne_scr[...], w,
        (((1,), (1,)), ((), ())),
        preferred_element_type=jnp.float32,
    )
    acc = jnp.exp2(l2[:, 0:_EMB] * inv[:, 0:_EMB])
    for k in range(1, _CB // _EMB):
        sl = slice(k * _EMB, (k + 1) * _EMB)
        acc = acc + jnp.exp2(l2[:, sl] * inv[:, sl])
    s_ref[...] += acc


def _epilogue_kernel(emb_ref, g_ref, s_ref, loss_ref):
    e = emb_ref[...]
    nrm = jnp.sqrt(jnp.sum(e * e, axis=1, keepdims=True))
    ne = (_C * e) / jnp.maximum(nrm, 1e-12)
    g = g_ref[...]
    gn2 = jnp.sum(g * g, axis=1, keepdims=True)
    ng = g * jax.lax.rsqrt(jnp.maximum(gn2, 1e-24))
    t2 = jnp.sum(ne * ng, axis=1, keepdims=True)
    s_tot = jnp.sum(s_ref[...], axis=1, keepdims=True) - _PAD_ROWS
    e_t = jnp.exp2(t2)
    t = jnp.clip(t2 * (1.0 / _C), -1.0 + _EPS, 1.0 - _EPS)
    cos_tm = t * _COS_M - jnp.sqrt(jnp.maximum(1.0 - t * t, 0.0)) * _SIN_M
    fc = jnp.where(t < _T_LO, _COS_PI_EPS, cos_tm)
    s_mod = s_tot - e_t + jnp.exp2(_C * fc)
    logp = _S * fc - jnp.log(s_mod)
    logp = jnp.maximum(logp, _LOG_CLIP)
    loss_ref[...] = -jnp.sum(logp, axis=(0, 1), keepdims=True) / _BATCH


def _make_sc_gather():
    info = plsc.get_sparse_core_info()
    nw_workers = info.num_cores * info.num_subcores
    b_per_w = _BATCH // nw_workers
    mesh = plsc.VectorSubcoreMesh(core_axis_name="c", subcore_axis_name="s")

    @functools.partial(
        pl.kernel, mesh=mesh,
        out_type=jax.ShapeDtypeStruct((_BATCH, _EMB), jnp.float32),
        scratch_types=[
            pltpu.VMEM((b_per_w,), jnp.int32),
            pltpu.VMEM((b_per_w, _EMB), jnp.float32),
            pltpu.SemaphoreType.DMA,
        ],
    )
    def sc_gather(w_hbm, idx_hbm, out_hbm, idx_v, rows_v, sem):
        wid = lax.axis_index("s") * info.num_cores + lax.axis_index("c")
        base = wid * b_per_w
        pltpu.sync_copy(idx_hbm.at[pl.ds(base, b_per_w)], idx_v)
        pltpu.async_copy(w_hbm.at[idx_v], rows_v, sem).wait()
        pltpu.sync_copy(rows_v, out_hbm.at[pl.ds(base, b_per_w)])

    return sc_gather


_sc_gather = _make_sc_gather()


@jax.jit
def kernel(local_embeddings, local_labels, weight):
    labels = local_labels.astype(jnp.int32)
    g = _sc_gather(weight, labels)
    s128 = pl.pallas_call(
        _stream_kernel,
        grid=(_GRID,),
        in_specs=[
            pl.BlockSpec((_BATCH, _EMB), lambda b: (0, 0)),
            pl.BlockSpec((_CB, _EMB), lambda b: (b, 0)),
        ],
        out_specs=pl.BlockSpec((_BATCH, _EMB), lambda b: (0, 0)),
        out_shape=jax.ShapeDtypeStruct((_BATCH, _EMB), jnp.float32),
        scratch_shapes=[
            pltpu.VMEM((_BATCH, _EMB), jnp.float32),
        ],
        compiler_params=pltpu.CompilerParams(
            dimension_semantics=("arbitrary",),
        ),
    )(local_embeddings, weight)
    loss = pl.pallas_call(
        _epilogue_kernel,
        out_shape=jax.ShapeDtypeStruct((1, 1), jnp.float32),
    )(local_embeddings, g, s128)
    return loss[0, 0]

# --- scband reference (transcript-rebuilt; emitter-appended) ---
"""Pipeline reference for scband-partial-fc-v2-44006234915161 (READ-ONLY COPY).

The authoritative reference and input builder live on the scoring server;
editing this copy changes nothing except your own understanding.
"""

import jax, jax.numpy as jnp
import numpy as np

BATCH = 1024
EMB = 128
NUM_CLASSES = 100000
S = 64.0
M2 = 0.5
EPS = 1e-7


def setup_inputs(seed: int = 0) -> dict:
    key = jax.random.key(seed)
    k1, k2, k3 = jax.random.split(key, 3)
    local_embeddings = jax.random.normal(k1, (BATCH, EMB), dtype=jnp.float32)
    local_labels = jax.random.randint(k2, (BATCH,), 0, NUM_CLASSES, dtype=jnp.int32)
    weight = 0.01 * jax.random.normal(k3, (NUM_CLASSES, EMB), dtype=jnp.float32)
    return {"local_embeddings": local_embeddings, "local_labels": local_labels, "weight": weight}


def _partial_fc_loss(emb, w, labels):
    # world_size = 1, sample_rate = 1.0 -> all class centers used, all labels positive.
    norm_emb = emb / jnp.clip(jnp.linalg.norm(emb, axis=1, keepdims=True), 1e-12)
    norm_w = w / jnp.clip(jnp.linalg.norm(w, axis=1, keepdims=True), 1e-12)
    logits = jnp.clip(norm_emb @ norm_w.T, -1.0, 1.0)
    # ArcFace margin (CombinedMarginLoss with m1=1, m2=0.5, m3=0) applied to target logits
    rows = jnp.arange(logits.shape[0])
    target_logit = logits[rows, labels]
    theta = jnp.arccos(jnp.clip(target_logit, -1.0 + EPS, 1.0 - EPS))
    theta_m = jnp.clip(theta + M2, EPS, jnp.pi - EPS)
    final_target = jnp.cos(theta_m)
    logits = logits.at[rows, labels].set(final_target)
    logits = logits * S
    # DistCrossEntropy (single-rank: all_reduce is identity)
    max_l = jnp.max(logits, axis=1, keepdims=True)
    e = jnp.exp(logits - max_l)
    p = e / jnp.sum(e, axis=1, keepdims=True)
    loss_per = jnp.take_along_axis(p, labels[:, None], axis=1)
    loss = -jnp.mean(jnp.log(jnp.clip(loss_per, 1e-30)))
    return loss


def reference(local_embeddings, local_labels, weight):
    labels = local_labels.astype(jnp.int32)
    return _partial_fc_loss(local_embeddings, weight, labels)

if __name__ == "__main__":
    import jax
    _d = setup_inputs()
    print(jax.jit(kernel)(*tuple(_d.values())))

</pallas_src>

<mosaic_0001>
#map = affine_map<(d0, d1) -> (0, 0)>
#map1 = affine_map<(d0, d1) -> (0)>
module attributes {stable_mosaic.version = 14 : i64} {
  func.func @sc_gather(%arg0: i32, %arg1: i32, %arg2: memref<100000x128xf32, #tpu.memory_space<hbm>>, %arg3: memref<1024xi32, #tpu.memory_space<hbm>>, %arg4: memref<1024x128xf32, #tpu.memory_space<hbm>>, %arg5: memref<32xi32, #tpu.memory_space<vmem>>, %arg6: memref<32x128xf32, #tpu.memory_space<vmem>>, %arg7: memref<!tpu.dma_semaphore, #tpu.memory_space<semaphore_mem>>) attributes {dimension_semantics = [#tpu.dimension_semantics<core_parallel>, #tpu.dimension_semantics<subcore_parallel>], iteration_bounds = array<i64: 2, 16>, scalar_prefetch = 0 : i64, scratch_operands = 3 : i64, tpu.core_type = #tpu.core_type<sc_vector_subcore>, window_params = [{transform_indices = #map}, {transform_indices = #map1}, {transform_indices = #map}]} {
    %mul3A = arith.constant 2 : i32
    %mul3A_0 = arith.muli %arg1, %mul3A : i32
    %add3A = arith.addi %mul3A_0, %arg0 : i32
    %mul3A_1 = arith.constant 32 : i32
    %mul3A_2 = arith.muli %add3A, %mul3A_1 : i32
    "tpu.region"() ({
      %run_scoped3A = tpu.sem_alloc : memref<!tpu.dma_semaphore, #tpu.memory_space<semaphore_mem>>
      %dma_start3A_7 = tpu.memref_slice %arg3[%mul3A_2] : memref<1024xi32, #tpu.memory_space<hbm>> -> memref<32xi32, #tpu.memory_space<hbm>>
      %dma_start3A_8 = tpu.memref_slice %arg3[%mul3A_2] : memref<1024xi32, #tpu.memory_space<hbm>> -> memref<32xi32, #tpu.memory_space<hbm>>
      tpu.enqueue_dma source(%dma_start3A_8 : memref<32xi32, #tpu.memory_space<hbm>>) target(%arg5 : memref<32xi32, #tpu.memory_space<vmem>>) target_semaphore(%run_scoped3A : memref<!tpu.dma_semaphore, #tpu.memory_space<semaphore_mem>>)
      %dma_wait3A_9 = tpu.memref_slice %arg3[%mul3A_2] : memref<1024xi32, #tpu.memory_space<hbm>> -> memref<32xi32, #tpu.memory_space<hbm>>
      %dma_wait3A_10 = tpu.memref_slice %arg3[%mul3A_2] : memref<1024xi32, #tpu.memory_space<hbm>> -> memref<32xi32, #tpu.memory_space<hbm>>
      tpu.wait_dma2 semaphore(%run_scoped3A : memref<!tpu.dma_semaphore, #tpu.memory_space<semaphore_mem>>) src(%dma_wait3A_10 : memref<32xi32, #tpu.memory_space<hbm>>) dst(%arg5 : memref<32xi32, #tpu.memory_space<vmem>>)
      tpu.yield
    }) : () -> ()
    %dma_start3A = arith.constant 0 : i32
    %dma_start3A_3 = arith.constant 0 : i32
    %dma_start3A_4 = tpu.memref_slice %arg2[%dma_start3A, %dma_start3A_3] : memref<100000x128xf32, #tpu.memory_space<hbm>> -> memref<100000x128xf32, #tpu.memory_space<hbm>>
    tpu.enqueue_indirect_dma source(%dma_start3A_4 : memref<100000x128xf32, #tpu.memory_space<hbm>>) target(%arg6 : memref<32x128xf32, #tpu.memory_space<vmem>>) offsets(%arg5 : memref<32xi32, #tpu.memory_space<vmem>>) semaphore(%arg7 : memref<!tpu.dma_semaphore, #tpu.memory_space<semaphore_mem>>)
    %dma_wait3A = arith.constant 0 : i32
    %dma_wait3A_5 = arith.constant 0 : i32
    %dma_wait3A_6 = tpu.memref_slice %arg2[%dma_wait3A, %dma_wait3A_5] : memref<100000x128xf32, #tpu.memory_space<hbm>> -> memref<100000x128xf32, #tpu.memory_space<hbm>>
    tpu.wait_indirect_dma semaphore(%arg7 : memref<!tpu.dma_semaphore, #tpu.memory_space<semaphore_mem>>) src(%dma_wait3A_6 : memref<100000x128xf32, #tpu.memory_space<hbm>>) dst(%arg6 : memref<32x128xf32, #tpu.memory_space<vmem>>)
    "tpu.region"() ({
      %run_scoped3A = tpu.sem_alloc : memref<!tpu.dma_semaphore, #tpu.memory_space<semaphore_mem>>
      %dma_start3A_7 = arith.constant 0 : i32
      %dma_start3A_8 = tpu.memref_slice %arg4[%mul3A_2, %dma_start3A_7] : memref<1024x128xf32, #tpu.memory_space<hbm>> -> memref<32x128xf32, #tpu.memory_space<hbm>>
      %dma_start3A_9 = arith.constant 0 : i32
      %dma_start3A_10 = tpu.memref_slice %arg4[%mul3A_2, %dma_start3A_9] : memref<1024x128xf32, #tpu.memory_space<hbm>> -> memref<32x128xf32, #tpu.memory_space<hbm>>
      tpu.enqueue_dma source(%arg6 : memref<32x128xf32, #tpu.memory_space<vmem>>) target(%dma_start3A_10 : memref<32x128xf32, #tpu.memory_space<hbm>>) target_semaphore(%run_scoped3A : memref<!tpu.dma_semaphore, #tpu.memory_space<semaphore_mem>>)
      %dma_wait3A_11 = arith.constant 0 : i32
      %dma_wait3A_12 = tpu.memref_slice %arg4[%mul3A_2, %dma_wait3A_11] : memref<1024x128xf32, #tpu.memory_space<hbm>> -> memref<32x128xf32, #tpu.memory_space<hbm>>
      %dma_wait3A_13 = arith.constant 0 : i32
      %dma_wait3A_14 = tpu.memref_slice %arg4[%mul3A_2, %dma_wait3A_13] : memref<1024x128xf32, #tpu.memory_space<hbm>> -> memref<32x128xf32, #tpu.memory_space<hbm>>
      tpu.wait_dma2 semaphore(%run_scoped3A : memref<!tpu.dma_semaphore, #tpu.memory_space<semaphore_mem>>) src(%arg6 : memref<32x128xf32, #tpu.memory_space<vmem>>) dst(%dma_wait3A_14 : memref<32x128xf32, #tpu.memory_space<hbm>>)
      tpu.yield
    }) : () -> ()
    return
  }
}

module attributes {stable_mosaic.version = 14 : i64} {
  func.func @_stream_kernel(%arg0: i32, %arg1: memref<1024x128xf32, #tpu.memory_space<vmem>>, %arg2: memref<7168x128xf32, #tpu.memory_space<vmem>>, %arg3: memref<1024x128xf32, #tpu.memory_space<vmem>>, %arg4: memref<1024x128xf32, #tpu.memory_space<vmem>>) attributes {dimension_semantics = [#tpu.dimension_semantics<arbitrary>], iteration_bounds = array<i64: 14>, scalar_prefetch = 0 : i64, scratch_operands = 1 : i64, tpu.core_type = #tpu.core_type<tc>, window_params = [{pipeline_mode = #tpu.pipeline_mode<synchronous>, transform_indices = @transform_0, window_bounds = array<i64: 1024, 128>}, {transform_indices = @transform_1, window_bounds = array<i64: 7168, 128>}, {pipeline_mode = #tpu.pipeline_mode<synchronous>, transform_indices = @transform_2, window_bounds = array<i64: 1024, 128>}]} {
    %eq3A = arith.constant 0 : i32
    %eq3A_0 = arith.cmpi eq, %arg0, %eq3A : i32
    %convert_element_type3A = arith.extui %eq3A_0 : i1 to i32
    %cond3A = arith.constant 0 : i32
    %cond3A_1 = arith.cmpi ne, %convert_element_type3A, %cond3A : i32
    scf.if %cond3A_1 {
      %get3A_361 = arith.constant 0 : index
      %get3A_362 = arith.constant 0 : index
      %get3A_363 = vector.load %arg1[%get3A_361, %get3A_362] : memref<1024x128xf32, #tpu.memory_space<vmem>>, vector<1024x128xf32>
      %mul3A_364 = arith.mulf %get3A_363, %get3A_363 : vector<1024x128xf32>
      %reduce_sum3A = arith.constant dense<0.000000e+00> : vector<1024xf32>
      %reduce_sum3A_365 = vector.multi_reduction <add>, %mul3A_364, %reduce_sum3A [1] : vector<1024x128xf32> to vector<1024xf32>
      %broadcast_in_dim3A_366 = vector.shape_cast %reduce_sum3A_365 : vector<1024xf32> to vector<1024x1xf32>
      %sqrt3A = math.sqrt %broadcast_in_dim3A_366 : vector<1024x1xf32>
      %mul3A_367 = arith.constant 92.3324813 : f32
      %mul3A_368 = vector.broadcast %mul3A_367 : f32 to vector<1024x128xf32>
      %mul3A_369 = arith.mulf %mul3A_368, %get3A_363 : vector<1024x128xf32>
      %max3A_370 = arith.constant 9.99999996E-13 : f32
      %max3A_371 = vector.broadcast %max3A_370 : f32 to vector<1024x1xf32>
      %max3A_372 = arith.maximumf %sqrt3A, %max3A_371 : vector<1024x1xf32>
      %div3A = vector.broadcast %max3A_372 : vector<1024x1xf32> to vector<1024x128xf32>
      %div3A_373 = arith.divf %mul3A_369, %div3A : vector<1024x128xf32>
      %swap3A_374 = arith.constant 0 : index
      %swap3A_375 = arith.constant 0 : index
      %swap3A_376 = vector.load %arg4[%swap3A_374, %swap3A_375] : memref<1024x128xf32, #tpu.memory_space<vmem>>, vector<1024x128xf32>
      tpu.vector_store %arg4[%swap3A_374, %swap3A_375], %div3A_373 {strides = array<i32>} : memref<1024x128xf32, #tpu.memory_space<vmem>>, vector<1024x128xf32>,
      %broadcast_in_dim3A_377 = arith.constant 0.000000e+00 : f32
      %broadcast_in_dim3A_378 = vector.broadcast %broadcast_in_dim3A_377 : f32 to vector<1024x128xf32>
      %swap3A_379 = arith.constant 0 : index
      %swap3A_380 = arith.constant 0 : index
      %swap3A_381 = vector.load %arg3[%swap3A_379, %swap3A_380] : memref<1024x128xf32, #tpu.memory_space<vmem>>, vector<1024x128xf32>
      tpu.vector_store %arg3[%swap3A_379, %swap3A_380], %broadcast_in_dim3A_378 {strides = array<i32>} : memref<1024x128xf32, #tpu.memory_space<vmem>>, vector<1024x128xf32>,
    } else {
    }
    %mul3A = arith.constant 7168 : i32
    %mul3A_2 = arith.muli %arg0, %mul3A : i32
    %iota3A = tpu.iota {dimensions = array<i32: 0>} : vector<7168x1xi32>
    %add3A = vector.broadcast %mul3A_2 : i32 to vector<7168x1xi32>
    %add3A_3 = arith.addi %add3A, %iota3A : vector<7168x1xi32>
    %lt3A = arith.constant 100000 : i32
    %lt3A_4 = vector.broadcast %lt3A : i32 to vector<7168x1xi32>
    %lt3A_5 = arith.cmpi slt, %add3A_3, %lt3A_4 : vector<7168x1xi32>
    %get3A = arith.constant 0 : index
    %get3A_6 = arith.constant 0 : index
    %get3A_7 = vector.load %arg2[%get3A, %get3A_6] : memref<7168x128xf32, #tpu.memory_space<vmem>>, vector<7168x128xf32>
    %jit3A = arith.constant 0.000000e+00 : f32
    %broadcast_in_dim3A = vector.shape_cast %lt3A_5 : vector<7168x1xi1> to vector<7168x1xi1>
    %broadcast_in_dim3A_8 = vector.broadcast %broadcast_in_dim3A : vector<7168x1xi1> to vector<7168x128xi1>
    %broadcast_in_dim3A_9 = vector.broadcast %jit3A : f32 to vector<7168x128xf32>
    %select_n3A = arith.select %broadcast_in_dim3A_8, %get3A_7, %broadcast_in_dim3A_9 : vector<7168x128xi1>, vector<7168x128xf32>
    %broadcast_in_dim3A_10 = arith.constant 1.000000e+00 : f32
    %broadcast_in_dim3A_11 = vector.broadcast %broadcast_in_dim3A_10 : f32 to vector<8x128xf32>
    %mul3A_12 = arith.mulf %select_n3A, %select_n3A : vector<7168x128xf32>
    %dot_general3A = arith.constant dense<0.000000e+00> : vector<8x7168xf32>
    %dot_general3A_13 = tpu.matmul %broadcast_in_dim3A_11, %mul3A_12, %dot_general3A {dimension_numbers = #tpu.dot_dimension_numbers<[1], [1], [0], [0], [0, 0, 1, 0], [], []>, transpose_lhs_hint = false} : vector<8x128xf32>, vector<7168x128xf32>, vector<8x7168xf32> -> vector<8x7168xf32>
    %slice3A = vector.extract_strided_slice %dot_general3A_13 {offsets = [0, 0], sizes = [1, 7168], strides = [1, 1]} : vector<8x7168xf32> to vector<1x7168xf32>
    %max3A = arith.constant 1.000000e-24 : f32
    %max3A_14 = vector.broadcast %max3A : f32 to vector<1x7168xf32>
    %max3A_15 = arith.maximumf %slice3A, %max3A_14 : vector<1x7168xf32>
    %rsqrt3A = math.rsqrt %max3A_15 : vector<1x7168xf32>
    %get3A_16 = arith.constant 0 : index
    %get3A_17 = arith.constant 0 : index
    %get3A_18 = vector.load %arg4[%get3A_16, %get3A_17] : memref<1024x128xf32, #tpu.memory_space<vmem>>, vector<1024x128xf32>
    %dot_general3A_19 = arith.constant dense<0.000000e+00> : vector<1024x7168xf32>
    %dot_general3A_20 = tpu.matmul %get3A_18, %select_n3A, %dot_general3A_19 {dimension_numbers = #tpu.dot_dimension_numbers<[1], [1], [0], [0], [0, 0, 1, 0], [], []>, transpose_lhs_hint = false} : vector<1024x128xf32>, vector<7168x128xf32>, vector<1024x7168xf32> -> vector<1024x7168xf32>
    %slice3A_21 = vector.extract_strided_slice %dot_general3A_20 {offsets = [0, 0], sizes = [1024, 128], strides = [1, 1]} : vector<1024x7168xf32> to vector<1024x128xf32>
    %slice3A_22 = vector.extract_strided_slice %rsqrt3A {offsets = [0, 0], sizes = [1, 128], strides = [1, 1]} : vector<1x7168xf32> to vector<1x128xf32>
    %mul3A_23 = vector.broadcast %slice3A_22 : vector<1x128xf32> to vector<1024x128xf32>
    %mul3A_24 = arith.mulf %slice3A_21, %mul3A_23 : vector<1024x128xf32>
    %exp23A = math.exp2 %mul3A_24 : vector<1024x128xf32>
    %slice3A_25 = vector.extract_strided_slice %dot_general3A_20 {offsets = [0, 128], sizes = [1024, 128], strides = [1, 1]} : vector<1024x7168xf32> to vector<1024x128xf32>
    %slice3A_26 = vector.extract_strided_slice %rsqrt3A {offsets = [0, 128], sizes = [1, 128], strides = [1, 1]} : vector<1x7168xf32> to vector<1x128xf32>
    %mul3A_27 = vector.broadcast %slice3A_26 : vector<1x128xf32> to vector<1024x128xf32>
    %mul3A_28 = arith.mulf %slice3A_25, %mul3A_27 : vector<1024x128xf32>
    %exp23A_29 = math.exp2 %mul3A_28 : vector<1024x128xf32>
    %add3A_30 = arith.addf %exp23A, %exp23A_29 : vector<1024x128xf32>
    %slice3A_31 = vector.extract_strided_slice %dot_general3A_20 {offsets = [0, 256], sizes = [1024, 128], strides = [1, 1]} : vector<1024x7168xf32> to vector<1024x128xf32>
    %slice3A_32 = vector.extract_strided_slice %rsqrt3A {offsets = [0, 256], sizes = [1, 128], strides = [1, 1]} : vector<1x7168xf32> to vector<1x128xf32>
    %mul3A_33 = vector.broadcast %slice3A_32 : vector<1x128xf32> to vector<1024x128xf32>
    %mul3A_34 = arith.mulf %slice3A_31, %mul3A_33 : vector<1024x128xf32>
    %exp23A_35 = math.exp2 %mul3A_34 : vector<1024x128xf32>
    %add3A_36 = arith.addf %add3A_30, %exp23A_35 : vector<1024x128xf32>
    %slice3A_37 = vector.extract_strided_slice %dot_general3A_20 {offsets = [0, 384], sizes = [1024, 128], strides = [1, 1]} : vector<1024x7168xf32> to vector<1024x128xf32>
    %slice3A_38 = vector.extract_strided_slice %rsqrt3A {offsets = [0, 384], sizes = [1, 128], strides = [1, 1]} : vector<1x7168xf32> to vector<1x128xf32>
    %mul3A_39 = vector.broadcast %slice3A_38 : vector<1x128xf32> to vector<1024x128xf32>
    %mul3A_40 = arith.mulf %slice3A_37, %mul3A_39 : vector<1024x128xf32>
    %exp23A_41 = math.exp2 %mul3A_40 : vector<1024x128xf32>
    %add3A_42 = arith.addf %add3A_36, %exp23A_41 : vector<1024x128xf32>
    %slice3A_43 = vector.extract_strided_slice %dot_general3A_20 {offsets = [0, 512], sizes = [1024, 128], strides = [1, 1]} : vector<1024x7168xf32> to vector<1024x128xf32>
    %slice3A_44 = vector.extract_strided_slice %rsqrt3A {offsets = [0, 512], sizes = [1, 128], strides = [1, 1]} : vector<1x7168xf32> to vector<1x128xf32>
    %mul3A_45 = vector.broadcast %slice3A_44 : vector<1x128xf32> to vector<1024x128xf32>
    %mul3A_46 = arith.mulf %slice3A_43, %mul3A_45 : vector<1024x128xf32>
    %exp23A_47 = math.exp2 %mul3A_46 : vector<1024x128xf32>
    %add3A_48 = arith.addf %add3A_42, %exp23A_47 : vector<1024x128xf32>
    %slice3A_49 = vector.extract_strided_slice %dot_general3A_20 {offsets = [0, 640], sizes = [1024, 128], strides = [1, 1]} : vector<1024x7168xf32> to vector<1024x128xf32>
    %slice3A_50 = vector.extract_strided_slice %rsqrt3A {offsets = [0, 640], sizes = [1, 128], strides = [1, 1]} : vector<1x7168xf32> to vector<1x128xf32>
    %mul3A_51 = vector.broadcast %slice3A_50 : vector<1x128xf32> to vector<1024x128xf32>
    %mul3A_52 = arith.mulf %slice3A_49, %mul3A_51 : vector<1024x128xf32>
    %exp23A_53 = math.exp2 %mul3A_52 : vector<1024x128xf32>
    %add3A_54 = arith.addf %add3A_48, %exp23A_53 : vector<1024x128xf32>
    %slice3A_55 = vector.extract_strided_slice %dot_general3A_20 {offsets = [0, 768], sizes = [1024, 128], strides = [1, 1]} : vector<1024x7168xf32> to vector<1024x128xf32>
    %slice3A_56 = vector.extract_strided_slice %rsqrt3A {offsets = [0, 768], sizes = [1, 128], strides = [1, 1]} : vector<1x7168xf32> to vector<1x128xf32>
    %mul3A_57 = vector.broadcast %slice3A_56 : vector<1x128xf32> to vector<1024x128xf32>
    %mul3A_58 = arith.mulf %slice3A_55, %mul3A_57 : vector<1024x128xf32>
    %exp23A_59 = math.exp2 %mul3A_58 : vector<1024x128xf32>
    %add3A_60 = arith.addf %add3A_54, %exp23A_59 : vector<1024x128xf32>
    %slice3A_61 = vector.extract_strided_slice %dot_general3A_20 {offsets = [0, 896], sizes = [1024, 128], strides = [1, 1]} : vector<1024x7168xf32> to vector<1024x128xf32>
    %slice3A_62 = vector.extract_strided_slice %rsqrt3A {offsets = [0, 896], sizes = [1, 128], strides = [1, 1]} : vector<1x7168xf32> to vector<1x128xf32>
    %mul3A_63 = vector.broadcast %slice3A_62 : vector<1x128xf32> to vector<1024x128xf32>
    %mul3A_64 = arith.mulf %slice3A_61, %mul3A_63 : vector<1024x128xf32>
    %exp23A_65 = math.exp2 %mul3A_64 : vector<1024x128xf32>
    %add3A_66 = arith.addf %add3A_60, %exp23A_65 : vector<1024x128xf32>
    %slice3A_67 = vector.extract_strided_slice %dot_general3A_20 {offsets = [0, 1024], sizes = [1024, 128], strides = [1, 1]} : vector<1024x7168xf32> to vector<1024x128xf32>
    %slice3A_68 = vector.extract_strided_slice %rsqrt3A {offsets = [0, 1024], sizes = [1, 128], strides = [1, 1]} : vector<1x7168xf32> to vector<1x128xf32>
    %mul3A_69 = vector.broadcast %slice3A_68 : vector<1x128xf32> to vector<1024x128xf32>
    %mul3A_70 = arith.mulf %slice3A_67, %mul3A_69 : vector<1024x128xf32>
    %exp23A_71 = math.exp2 %mul3A_70 : vector<1024x128xf32>
    %add3A_72 = arith.addf %add3A_66, %exp23A_71 : vector<1024x128xf32>
    %slice3A_73 = vector.extract_strided_slice %dot_general3A_20 {offsets = [0, 1152], sizes = [1024, 128], strides = [1, 1]} : vector<1024x7168xf32> to vector<1024x128xf32>
    %slice3A_74 = vector.extract_strided_slice %rsqrt3A {offsets = [0, 1152], sizes = [1, 128], strides = [1, 1]} : vector<1x7168xf32> to vector<1x128xf32>
    %mul3A_75 = vector.broadcast %slice3A_74 : vector<1x128xf32> to vector<1024x128xf32>
    %mul3A_76 = arith.mulf %slice3A_73, %mul3A_75 : vector<1024x128xf32>
    %exp23A_77 = math.exp2 %mul3A_76 : vector<1024x128xf32>
    %add3A_78 = arith.addf %add3A_72, %exp23A_77 : vector<1024x128xf32>
    %slice3A_79 = vector.extract_strided_slice %dot_general3A_20 {offsets = [0, 1280], sizes = [1024, 128], strides = [1, 1]} : vector<1024x7168xf32> to vector<1024x128xf32>
    %slice3A_80 = vector.extract_strided_slice %rsqrt3A {offsets = [0, 1280], sizes = [1, 128], strides = [1, 1]} : vector<1x7168xf32> to vector<1x128xf32>
    %mul3A_81 = vector.broadcast %slice3A_80 : vector<1x128xf32> to vector<1024x128xf32>
    %mul3A_82 = arith.mulf %slice3A_79, %mul3A_81 : vector<1024x128xf32>
    %exp23A_83 = math.exp2 %mul3A_82 : vector<1024x128xf32>
    %add3A_84 = arith.addf %add3A_78, %exp23A_83 : vector<1024x128xf32>
    %slice3A_85 = vector.extract_strided_slice %dot_general3A_20 {offsets = [0, 1408], sizes = [1024, 128], strides = [1, 1]} : vector<1024x7168xf32> to vector<1024x128xf32>
    %slice3A_86 = vector.extract_strided_slice %rsqrt3A {offsets = [0, 1408], sizes = [1, 128], strides = [1, 1]} : vector<1x7168xf32> to vector<1x128xf32>
    %mul3A_87 = vector.broadcast %slice3A_86 : vector<1x128xf32> to vector<1024x128xf32>
    %mul3A_88 = arith.mulf %slice3A_85, %mul3A_87 : vector<1024x128xf32>
    %exp23A_89 = math.exp2 %mul3A_88 : vector<1024x128xf32>
    %add3A_90 = arith.addf %add3A_84, %exp23A_89 : vector<1024x128xf32>
    %slice3A_91 = vector.extract_strided_slice %dot_general3A_20 {offsets = [0, 1536], sizes = [1024, 128], strides = [1, 1]} : vector<1024x7168xf32> to vector<1024x128xf32>
    %slice3A_92 = vector.extract_strided_slice %rsqrt3A {offsets = [0, 1536], sizes = [1, 128], strides = [1, 1]} : vector<1x7168xf32> to vector<1x128xf32>
    %mul3A_93 = vector.broadcast %slice3A_92 : vector<1x128xf32> to vector<1024x128xf32>
    %mul3A_94 = arith.mulf %slice3A_91, %mul3A_93 : vector<1024x128xf32>
    %exp23A_95 = math.exp2 %mul3A_94 : vector<1024x128xf32>
    %add3A_96 = arith.addf %add3A_90, %exp23A_95 : vector<1024x128xf32>
    %slice3A_97 = vector.extract_strided_slice %dot_general3A_20 {offsets = [0, 1664], sizes = [1024, 128], strides = [1, 1]} : vector<1024x7168xf32> to vector<1024x128xf32>
    %slice3A_98 = vector.extract_strided_slice %rsqrt3A {offsets = [0, 1664], sizes = [1, 128], strides = [1, 1]} : vector<1x7168xf32> to vector<1x128xf32>
    %mul3A_99 = vector.broadcast %slice3A_98 : vector<1x128xf32> to vector<1024x128xf32>
    %mul3A_100 = arith.mulf %slice3A_97, %mul3A_99 : vector<1024x128xf32>
    %exp23A_101 = math.exp2 %mul3A_100 : vector<1024x128xf32>
    %add3A_102 = arith.addf %add3A_96, %exp23A_101 : vector<1024x128xf32>
    %slice3A_103 = vector.extract_strided_slice %dot_general3A_20 {offsets = [0, 1792], sizes = [1024, 128], strides = [1, 1]} : vector<1024x7168xf32> to vector<1024x128xf32>
    %slice3A_104 = vector.extract_strided_slice %rsqrt3A {offsets = [0, 1792], sizes = [1, 128], strides = [1, 1]} : vector<1x7168xf32> to vector<1x128xf32>
    %mul3A_105 = vector.broadcast %slice3A_104 : vector<1x128xf32> to vector<1024x128xf32>
    %mul3A_106 = arith.mulf %slice3A_103, %mul3A_105 : vector<1024x128xf32>
    %exp23A_107 = math.exp2 %mul3A_106 : vector<1024x128xf32>
    %add3A_108 = arith.addf %add3A_102, %exp23A_107 : vector<1024x128xf32>
    %slice3A_109 = vector.extract_strided_slice %dot_general3A_20 {offsets = [0, 1920], sizes = [1024, 128], strides = [1, 1]} : vector<1024x7168xf32> to vector<1024x128xf32>
    %slice3A_110 = vector.extract_strided_slice %rsqrt3A {offsets = [0, 1920], sizes = [1, 128], strides = [1, 1]} : vector<1x7168xf32> to vector<1x128xf32>
    %mul3A_111 = vector.broadcast %slice3A_110 : vector<1x128xf32> to vector<1024x128xf32>
    %mul3A_112 = arith.mulf %slice3A_109, %mul3A_111 : vector<1024x128xf32>
    %exp23A_113 = math.exp2 %mul3A_112 : vector<1024x128xf32>
    %add3A_114 = arith.addf %add3A_108, %exp23A_113 : vector<1024x128xf32>
    %slice3A_115 = vector.extract_strided_slice %dot_general3A_20 {offsets = [0, 2048], sizes = [1024, 128], strides = [1, 1]} : vector<1024x7168xf32> to vector<1024x128xf32>
    %slice3A_116 = vector.extract_strided_slice %rsqrt3A {offsets = [0, 2048], sizes = [1, 128], strides = [1, 1]} : vector<1x7168xf32> to vector<1x128xf32>
    %mul3A_117 = vector.broadcast %slice3A_116 : vector<1x128xf32> to vector<1024x128xf32>
    %mul3A_118 = arith.mulf %slice3A_115, %mul3A_117 : vector<1024x128xf32>
    %exp23A_119 = math.exp2 %mul3A_118 : vector<1024x128xf32>
    %add3A_120 = arith.addf %add3A_114, %exp23A_119 : vector<1024x128xf32>
    %slice3A_121 = vector.extract_strided_slice %dot_general3A_20 {offsets = [0, 2176], sizes = [1024, 128], strides = [1, 1]} : vector<1024x7168xf32> to vector<1024x128xf32>
    %slice3A_122 = vector.extract_strided_slice %rsqrt3A {offsets = [0, 2176], sizes = [1, 128], strides = [1, 1]} : vector<1x7168xf32> to vector<1x128xf32>
    %mul3A_123 = vector.broadcast %slice3A_122 : vector<1x128xf32> to vector<1024x128xf32>
    %mul3A_124 = arith.mulf %slice3A_121, %mul3A_123 : vector<1024x128xf32>
    %exp23A_125 = math.exp2 %mul3A_124 : vector<1024x128xf32>
    %add3A_126 = arith.addf %add3A_120, %exp23A_125 : vector<1024x128xf32>
    %slice3A_127 = vector.extract_strided_slice %dot_general3A_20 {offsets = [0, 2304], sizes = [1024, 128], strides = [1, 1]} : vector<1024x7168xf32> to vector<1024x128xf32>
    %slice3A_128 = vector.extract_strided_slice %rsqrt3A {offsets = [0, 2304], sizes = [1, 128], strides = [1, 1]} : vector<1x7168xf32> to vector<1x128xf32>
    %mul3A_129 = vector.broadcast %slice3A_128 : vector<1x128xf32> to vector<1024x128xf32>
    %mul3A_130 = arith.mulf %slice3A_127, %mul3A_129 : vector<1024x128xf32>
    %exp23A_131 = math.exp2 %mul3A_130 : vector<1024x128xf32>
    %add3A_132 = arith.addf %add3A_126, %exp23A_131 : vector<1024x128xf32>
    %slice3A_133 = vector.extract_strided_slice %dot_general3A_20 {offsets = [0, 2432], sizes = [1024, 128], strides = [1, 1]} : vector<1024x7168xf32> to vector<1024x128xf32>
    %slice3A_134 = vector.extract_strided_slice %rsqrt3A {offsets = [0, 2432], sizes = [1, 128], strides = [1, 1]} : vector<1x7168xf32> to vector<1x128xf32>
    %mul3A_135 = vector.broadcast %slice3A_134 : vector<1x128xf32> to vector<1024x128xf32>
    %mul3A_136 = arith.mulf %slice3A_133, %mul3A_135 : vector<1024x128xf32>
    %exp23A_137 = math.exp2 %mul3A_136 : vector<1024x128xf32>
    %add3A_138 = arith.addf %add3A_132, %exp23A_137 : vector<1024x128xf32>
    %slice3A_139 = vector.extract_strided_slice %dot_general3A_20 {offsets = [0, 2560], sizes = [1024, 128], strides = [1, 1]} : vector<1024x7168xf32> to vector<1024x128xf32>
    %slice3A_140 = vector.extract_strided_slice %rsqrt3A {offsets = [0, 2560], sizes = [1, 128], strides = [1, 1]} : vector<1x7168xf32> to vector<1x128xf32>
    %mul3A_141 = vector.broadcast %slice3A_140 : vector<1x128xf32> to vector<1024x128xf32>
    %mul3A_142 = arith.mulf %slice3A_139, %mul3A_141 : vector<1024x128xf32>
    %exp23A_143 = math.exp2 %mul3A_142 : vector<1024x128xf32>
    %add3A_144 = arith.addf %add3A_138, %exp23A_143 : vector<1024x128xf32>
    %slice3A_145 = vector.extract_strided_slice %dot_general3A_20 {offsets = [0, 2688], sizes = [1024, 128], strides = [1, 1]} : vector<1024x7168xf32> to vector<1024x128xf32>
    %slice3A_146 = vector.extract_strided_slice %rsqrt3A {offsets = [0, 2688], sizes = [1, 128], strides = [1, 1]} : vector<1x7168xf32> to vector<1x128xf32>
    %mul3A_147 = vector.broadcast %slice3A_146 : vector<1x128xf32> to vector<1024x128xf32>
    %mul3A_148 = arith.mulf %slice3A_145, %mul3A_147 : vector<1024x128xf32>
    %exp23A_149 = math.exp2 %mul3A_148 : vector<1024x128xf32>
    %add3A_150 = arith.addf %add3A_144, %exp23A_149 : vector<1024x128xf32>
    %slice3A_151 = vector.extract_strided_slice %dot_general3A_20 {offsets = [0, 2816], sizes = [1024, 128], strides = [1, 1]} : vector<1024x7168xf32> to vector<1024x128xf32>
    %slice3A_152 = vector.extract_strided_slice %rsqrt3A {offsets = [0, 2816], sizes = [1, 128], strides = [1, 1]} : vector<1x7168xf32> to vector<1x128xf32>
    %mul3A_153 = vector.broadcast %slice3A_152 : vector<1x128xf32> to vector<1024x128xf32>
    %mul3A_154 = arith.mulf %slice3A_151, %mul3A_153 : vector<1024x128xf32>
    %exp23A_155 = math.exp2 %mul3A_154 : vector<1024x128xf32>
    %add3A_156 = arith.addf %add3A_150, %exp23A_155 : vector<1024x128xf32>
    %slice3A_157 = vector.extract_strided_slice %dot_general3A_20 {offsets = [0, 2944], sizes = [1024, 128], strides = [1, 1]} : vector<1024x7168xf32> to vector<1024x128xf32>
    %slice3A_158 = vector.extract_strided_slice %rsqrt3A {offsets = [0, 2944], sizes = [1, 128], strides = [1, 1]} : vector<1x7168xf32> to vector<1x128xf32>
    %mul3A_159 = vector.broadcast %slice3A_158 : vector<1x128xf32> to vector<1024x128xf32>
    %mul3A_160 = arith.mulf %slice3A_157, %mul3A_159 : vector<1024x128xf32>
    %exp23A_161 = math.exp2 %mul3A_160 : vector<1024x128xf32>
    %add3A_162 = arith.addf %add3A_156, %exp23A_161 : vector<1024x128xf32>
    %slice3A_163 = vector.extract_strided_slice %dot_general3A_20 {offsets = [0, 3072], sizes = [1024, 128], strides = [1, 1]} : vector<1024x7168xf32> to vector<1024x128xf32>
    %slice3A_164 = vector.extract_strided_slice %rsqrt3A {offsets = [0, 3072], sizes = [1, 128], strides = [1, 1]} : vector<1x7168xf32> to vector<1x128xf32>
    %mul3A_165 = vector.broadcast %slice3A_164 : vector<1x128xf32> to vector<1024x128xf32>
    %mul3A_166 = arith.mulf %slice3A_163, %mul3A_165 : vector<1024x128xf32>
    %exp23A_167 = math.exp2 %mul3A_166 : vector<1024x128xf32>
    %add3A_168 = arith.addf %add3A_162, %exp23A_167 : vector<1024x128xf32>
    %slice3A_169 = vector.extract_strided_slice %dot_general3A_20 {offsets = [0, 3200], sizes = [1024, 128], strides = [1, 1]} : vector<1024x7168xf32> to vector<1024x128xf32>
    %slice3A_170 = vector.extract_strided_slice %rsqrt3A {offsets = [0, 3200], sizes = [1, 128], strides = [1, 1]} : vector<1x7168xf32> to vector<1x128xf32>
    %mul3A_171 = vector.broadcast %slice3A_170 : vector<1x128xf32> to vector<1024x128xf32>
    %mul3A_172 = arith.mulf %slice3A_169, %mul3A_171 : vector<1024x128xf32>
    %exp23A_173 = math.exp2 %mul3A_172 : vector<1024x128xf32>
    %add3A_174 = arith.addf %add3A_168, %exp23A_173 : vector<1024x128xf32>
    %slice3A_175 = vector.extract_strided_slice %dot_general3A_20 {offsets = [0, 3328], sizes = [1024, 128], strides = [1, 1]} : vector<1024x7168xf32> to vector<1024x128xf32>
    %slice3A_176 = vector.extract_strided_slice %rsqrt3A {offsets = [0, 3328], sizes = [1, 128], strides = [1, 1]} : vector<1x7168xf32> to vector<1x128xf32>
    %mul3A_177 = vector.broadcast %slice3A_176 : vector<1x128xf32> to vector<1024x128xf32>
    %mul3A_178 = arith.mulf %slice3A_175, %mul3A_177 : vector<1024x128xf32>
    %exp23A_179 = math.exp2 %mul3A_178 : vector<1024x128xf32>
    %add3A_180 = arith.addf %add3A_174, %exp23A_179 : vector<1024x128xf32>
    %slice3A_181 = vector.extract_strided_slice %dot_general3A_20 {offsets = [0, 3456], sizes = [1024, 128], strides = [1, 1]} : vector<1024x7168xf32> to vector<1024x128xf32>
    %slice3A_182 = vector.extract_strided_slice %rsqrt3A {offsets = [0, 3456], sizes = [1, 128], strides = [1, 1]} : vector<1x7168xf32> to vector<1x128xf32>
    %mul3A_183 = vector.broadcast %slice3A_182 : vector<1x128xf32> to vector<1024x128xf32>
    %mul3A_184 = arith.mulf %slice3A_181, %mul3A_183 : vector<1024x128xf32>
    %exp23A_185 = math.exp2 %mul3A_184 : vector<1024x128xf32>
    %add3A_186 = arith.addf %add3A_180, %exp23A_185 : vector<1024x128xf32>
    %slice3A_187 = vector.extract_strided_slice %dot_general3A_20 {offsets = [0, 3584], sizes = [1024, 128], strides = [1, 1]} : vector<1024x7168xf32> to vector<1024x128xf32>
    %slice3A_188 = vector.extract_strided_slice %rsqrt3A {offsets = [0, 3584], sizes = [1, 128], strides = [1, 1]} : vector<1x7168xf32> to vector<1x128xf32>
    %mul3A_189 = vector.broadcast %slice3A_188 : vector<1x128xf32> to vector<1024x128xf32>
    %mul3A_190 = arith.mulf %slice3A_187, %mul3A_189 : vector<1024x128xf32>
    %exp23A_191 = math.exp2 %mul3A_190 : vector<1024x128xf32>
    %add3A_192 = arith.addf %add3A_186, %exp23A_191 : vector<1024x128xf32>
    %slice3A_193 = vector.extract_strided_slice %dot_general3A_20 {offsets = [0, 3712], sizes = [1024, 128], strides = [1, 1]} : vector<1024x7168xf32> to vector<1024x128xf32>
    %slice3A_194 = vector.extract_strided_slice %rsqrt3A {offsets = [0, 3712], sizes = [1, 128], strides = [1, 1]} : vector<1x7168xf32> to vector<1x128xf32>
    %mul3A_195 = vector.broadcast %slice3A_194 : vector<1x128xf32> to vector<1024x128xf32>
    %mul3A_196 = arith.mulf %slice3A_193, %mul3A_195 : vector<1024x128xf32>
    %exp23A_197 = math.exp2 %mul3A_196 : vector<1024x128xf32>
    %add3A_198 = arith.addf %add3A_192, %exp23A_197 : vector<1024x128xf32>
    %slice3A_199 = vector.extract_strided_slice %dot_general3A_20 {offsets = [0, 3840], sizes = [1024, 128], strides = [1, 1]} : vector<1024x7168xf32> to vector<1024x128xf32>
    %slice3A_200 = vector.extract_strided_slice %rsqrt3A {offsets = [0, 3840], sizes = [1, 128], strides = [1, 1]} : vector<1x7168xf32> to vector<1x128xf32>
    %mul3A_201 = vector.broadcast %slice3A_200 : vector<1x128xf32> to vector<1024x128xf32>
    %mul3A_202 = arith.mulf %slice3A_199, %mul3A_201 : vector<1024x128xf32>
    %exp23A_203 = math.exp2 %mul3A_202 : vector<1024x128xf32>
    %add3A_204 = arith.addf %add3A_198, %exp23A_203 : vector<1024x128xf32>
    %slice3A_205 = vector.extract_strided_slice %dot_general3A_20 {offsets = [0, 3968], sizes = [1024, 128], strides = [1, 1]} : vector<1024x7168xf32> to vector<1024x128xf32>
    %slice3A_206 = vector.extract_strided_slice %rsqrt3A {offsets = [0, 3968], sizes = [1, 128], strides = [1, 1]} : vector<1x7168xf32> to vector<1x128xf32>
    %mul3A_207 = vector.broadcast %slice3A_206 : vector<1x128xf32> to vector<1024x128xf32>
    %mul3A_208 = arith.mulf %slice3A_205, %mul3A_207 : vector<1024x128xf32>
    %exp23A_209 = math.exp2 %mul3A_208 : vector<1024x128xf32>
    %add3A_210 = arith.addf %add3A_204, %exp23A_209 : vector<1024x128xf32>
    %slice3A_211 = vector.extract_strided_slice %dot_general3A_20 {offsets = [0, 4096], sizes = [1024, 128], strides = [1, 1]} : vector<1024x7168xf32> to vector<1024x128xf32>
    %slice3A_212 = vector.extract_strided_slice %rsqrt3A {offsets = [0, 4096], sizes = [1, 128], strides = [1, 1]} : vector<1x7168xf32> to vector<1x128xf32>
    %mul3A_213 = vector.broadcast %slice3A_212 : vector<1x128xf32> to vector<1024x128xf32>
    %mul3A_214 = arith.mulf %slice3A_211, %mul3A_213 : vector<1024x128xf32>
    %exp23A_215 = math.exp2 %mul3A_214 : vector<1024x128xf32>
    %add3A_216 = arith.addf %add3A_210, %exp23A_215 : vector<1024x128xf32>
    %slice3A_217 = vector.extract_strided_slice %dot_general3A_20 {offsets = [0, 4224], sizes = [1024, 128], strides = [1, 1]} : vector<1024x7168xf32> to vector<1024x128xf32>
    %slice3A_218 = vector.extract_strided_slice %rsqrt3A {offsets = [0, 4224], sizes = [1, 128], strides = [1, 1]} : vector<1x7168xf32> to vector<1x128xf32>
    %mul3A_219 = vector.broadcast %slice3A_218 : vector<1x128xf32> to vector<1024x128xf32>
    %mul3A_220 = arith.mulf %slice3A_217, %mul3A_219 : vector<1024x128xf32>
    %exp23A_221 = math.exp2 %mul3A_220 : vector<1024x128xf32>
    %add3A_222 = arith.addf %add3A_216, %exp23A_221 : vector<1024x128xf32>
    %slice3A_223 = vector.extract_strided_slice %dot_general3A_20 {offsets = [0, 4352], sizes = [1024, 128], strides = [1, 1]} : vector<1024x7168xf32> to vector<1024x128xf32>
    %slice3A_224 = vector.extract_strided_slice %rsqrt3A {offsets = [0, 4352], sizes = [1, 128], strides = [1, 1]} : vector<1x7168xf32> to vector<1x128xf32>
    %mul3A_225 = vector.broadcast %slice3A_224 : vector<1x128xf32> to vector<1024x128xf32>
    %mul3A_226 = arith.mulf %slice3A_223, %mul3A_225 : vector<1024x128xf32>
    %exp23A_227 = math.exp2 %mul3A_226 : vector<1024x128xf32>
    %add3A_228 = arith.addf %add3A_222, %exp23A_227 : vector<1024x128xf32>
    %slice3A_229 = vector.extract_strided_slice %dot_general3A_20 {offsets = [0, 4480], sizes = [1024, 128], strides = [1, 1]} : vector<1024x7168xf32> to vector<1024x128xf32>
    %slice3A_230 = vector.extract_strided_slice %rsqrt3A {offsets = [0, 4480], sizes = [1, 128], strides = [1, 1]} : vector<1x7168xf32> to vector<1x128xf32>
    %mul3A_231 = vector.broadcast %slice3A_230 : vector<1x128xf32> to vector<1024x128xf32>
    %mul3A_232 = arith.mulf %slice3A_229, %mul3A_231 : vector<1024x128xf32>
    %exp23A_233 = math.exp2 %mul3A_232 : vector<1024x128xf32>
    %add3A_234 = arith.addf %add3A_228, %exp23A_233 : vector<1024x128xf32>
    %slice3A_235 = vector.extract_strided_slice %dot_general3A_20 {offsets = [0, 4608], sizes = [1024, 128], strides = [1, 1]} : vector<1024x7168xf32> to vector<1024x128xf32>
    %slice3A_236 = vector.extract_strided_slice %rsqrt3A {offsets = [0, 4608], sizes = [1, 128], strides = [1, 1]} : vector<1x7168xf32> to vector<1x128xf32>
    %mul3A_237 = vector.broadcast %slice3A_236 : vector<1x128xf32> to vector<1024x128xf32>
    %mul3A_238 = arith.mulf %slice3A_235, %mul3A_237 : vector<1024x128xf32>
    %exp23A_239 = math.exp2 %mul3A_238 : vector<1024x128xf32>
    %add3A_240 = arith.addf %add3A_234, %exp23A_239 : vector<1024x128xf32>
    %slice3A_241 = vector.extract_strided_slice %dot_general3A_20 {offsets = [0, 4736], sizes = [1024, 128], strides = [1, 1]} : vector<1024x7168xf32> to vector<1024x128xf32>
    %slice3A_242 = vector.extract_strided_slice %rsqrt3A {offsets = [0, 4736], sizes = [1, 128], strides = [1, 1]} : vector<1x7168xf32> to vector<1x128xf32>
    %mul3A_243 = vector.broadcast %slice3A_242 : vector<1x128xf32> to vector<1024x128xf32>
    %mul3A_244 = arith.mulf %slice3A_241, %mul3A_243 : vector<1024x128xf32>
    %exp23A_245 = math.exp2 %mul3A_244 : vector<1024x128xf32>
    %add3A_246 = arith.addf %add3A_240, %exp23A_245 : vector<1024x128xf32>
    %slice3A_247 = vector.extract_strided_slice %dot_general3A_20 {offsets = [0, 4864], sizes = [1024, 128], strides = [1, 1]} : vector<1024x7168xf32> to vector<1024x128xf32>
    %slice3A_248 = vector.extract_strided_slice %rsqrt3A {offsets = [0, 4864], sizes = [1, 128], strides = [1, 1]} : vector<1x7168xf32> to vector<1x128xf32>
    %mul3A_249 = vector.broadcast %slice3A_248 : vector<1x128xf32> to vector<1024x128xf32>
    %mul3A_250 = arith.mulf %slice3A_247, %mul3A_249 : vector<1024x128xf32>
    %exp23A_251 = math.exp2 %mul3A_250 : vector<1024x128xf32>
    %add3A_252 = arith.addf %add3A_246, %exp23A_251 : vector<1024x128xf32>
    %slice3A_253 = vector.extract_strided_slice %dot_general3A_20 {offsets = [0, 4992], sizes = [1024, 128], strides = [1, 1]} : vector<1024x7168xf32> to vector<1024x128xf32>
    %slice3A_254 = vector.extract_strided_slice %rsqrt3A {offsets = [0, 4992], sizes = [1, 128], strides = [1, 1]} : vector<1x7168xf32> to vector<1x128xf32>
    %mul3A_255 = vector.broadcast %slice3A_254 : vector<1x128xf32> to vector<1024x128xf32>
    %mul3A_256 = arith.mulf %slice3A_253, %mul3A_255 : vector<1024x128xf32>
    %exp23A_257 = math.exp2 %mul3A_256 : vector<1024x128xf32>
    %add3A_258 = arith.addf %add3A_252, %exp23A_257 : vector<1024x128xf32>
    %slice3A_259 = vector.extract_strided_slice %dot_general3A_20 {offsets = [0, 5120], sizes = [1024, 128], strides = [1, 1]} : vector<1024x7168xf32> to vector<1024x128xf32>
    %slice3A_260 = vector.extract_strided_slice %rsqrt3A {offsets = [0, 5120], sizes = [1, 128], strides = [1, 1]} : vector<1x7168xf32> to vector<1x128xf32>
    %mul3A_261 = vector.broadcast %slice3A_260 : vector<1x128xf32> to vector<1024x128xf32>
    %mul3A_262 = arith.mulf %slice3A_259, %mul3A_261 : vector<1024x128xf32>
    %exp23A_263 = math.exp2 %mul3A_262 : vector<1024x128xf32>
    %add3A_264 = arith.addf %add3A_258, %exp23A_263 : vector<1024x128xf32>
    %slice3A_265 = vector.extract_strided_slice %dot_general3A_20 {offsets = [0, 5248], sizes = [1024, 128], strides = [1, 1]} : vector<1024x7168xf32> to vector<1024x128xf32>
    %slice3A_266 = vector.extract_strided_slice %rsqrt3A {offsets = [0, 5248], sizes = [1, 128], strides = [1, 1]} : vector<1x7168xf32> to vector<1x128xf32>
    %mul3A_267 = vector.broadcast %slice3A_266 : vector<1x128xf32> to vector<1024x128xf32>
    %mul3A_268 = arith.mulf %slice3A_265, %mul3A_267 : vector<1024x128xf32>
    %exp23A_269 = math.exp2 %mul3A_268 : vector<1024x128xf32>
    %add3A_270 = arith.addf %add3A_264, %exp23A_269 : vector<1024x128xf32>
    %slice3A_271 = vector.extract_strided_slice %dot_general3A_20 {offsets = [0, 5376], sizes = [1024, 128], strides = [1, 1]} : vector<1024x7168xf32> to vector<1024x128xf32>
    %slice3A_272 = vector.extract_strided_slice %rsqrt3A {offsets = [0, 5376], sizes = [1, 128], strides = [1, 1]} : vector<1x7168xf32> to vector<1x128xf32>
    %mul3A_273 = vector.broadcast %slice3A_272 : vector<1x128xf32> to vector<1024x128xf32>
    %mul3A_274 = arith.mulf %slice3A_271, %mul3A_273 : vector<1024x128xf32>
    %exp23A_275 = math.exp2 %mul3A_274 : vector<1024x128xf32>
    %add3A_276 = arith.addf %add3A_270, %exp23A_275 : vector<1024x128xf32>
    %slice3A_277 = vector.extract_strided_slice %dot_general3A_20 {offsets = [0, 5504], sizes = [1024, 128], strides = [1, 1]} : vector<1024x7168xf32> to vector<1024x128xf32>
    %slice3A_278 = vector.extract_strided_slice %rsqrt3A {offsets = [0, 5504], sizes = [1, 128], strides = [1, 1]} : vector<1x7168xf32> to vector<1x128xf32>
    %mul3A_279 = vector.broadcast %slice3A_278 : vector<1x128xf32> to vector<1024x128xf32>
    %mul3A_280 = arith.mulf %slice3A_277, %mul3A_279 : vector<1024x128xf32>
    %exp23A_281 = math.exp2 %mul3A_280 : vector<1024x128xf32>
    %add3A_282 = arith.addf %add3A_276, %exp23A_281 : vector<1024x128xf32>
    %slice3A_283 = vector.extract_strided_slice %dot_general3A_20 {offsets = [0, 5632], sizes = [1024, 128], strides = [1, 1]} : vector<1024x7168xf32> to vector<1024x128xf32>
    %slice3A_284 = vector.extract_strided_slice %rsqrt3A {offsets = [0, 5632], sizes = [1, 128], strides = [1, 1]} : vector<1x7168xf32> to vector<1x128xf32>
    %mul3A_285 = vector.broadcast %slice3A_284 : vector<1x128xf32> to vector<1024x128xf32>
    %mul3A_286 = arith.mulf %slice3A_283, %mul3A_285 : vector<1024x128xf32>
    %exp23A_287 = math.exp2 %mul3A_286 : vector<1024x128xf32>
    %add3A_288 = arith.addf %add3A_282, %exp23A_287 : vector<1024x128xf32>
    %slice3A_289 = vector.extract_strided_slice %dot_general3A_20 {offsets = [0, 5760], sizes = [1024, 128], strides = [1, 1]} : vector<1024x7168xf32> to vector<1024x128xf32>
    %slice3A_290 = vector.extract_strided_slice %rsqrt3A {offsets = [0, 5760], sizes = [1, 128], strides = [1, 1]} : vector<1x7168xf32> to vector<1x128xf32>
    %mul3A_291 = vector.broadcast %slice3A_290 : vector<1x128xf32> to vector<1024x128xf32>
    %mul3A_292 = arith.mulf %slice3A_289, %mul3A_291 : vector<1024x128xf32>
    %exp23A_293 = math.exp2 %mul3A_292 : vector<1024x128xf32>
    %add3A_294 = arith.addf %add3A_288, %exp23A_293 : vector<1024x128xf32>
    %slice3A_295 = vector.extract_strided_slice %dot_general3A_20 {offsets = [0, 5888], sizes = [1024, 128], strides = [1, 1]} : vector<1024x7168xf32> to vector<1024x128xf32>
    %slice3A_296 = vector.extract_strided_slice %rsqrt3A {offsets = [0, 5888], sizes = [1, 128], strides = [1, 1]} : vector<1x7168xf32> to vector<1x128xf32>
    %mul3A_297 = vector.broadcast %slice3A_296 : vector<1x128xf32> to vector<1024x128xf32>
    %mul3A_298 = arith.mulf %slice3A_295, %mul3A_297 : vector<1024x128xf32>
    %exp23A_299 = math.exp2 %mul3A_298 : vector<1024x128xf32>
    %add3A_300 = arith.addf %add3A_294, %exp23A_299 : vector<1024x128xf32>
    %slice3A_301 = vector.extract_strided_slice %dot_general3A_20 {offsets = [0, 6016], sizes = [1024, 128], strides = [1, 1]} : vector<1024x7168xf32> to vector<1024x128xf32>
    %slice3A_302 = vector.extract_strided_slice %rsqrt3A {offsets = [0, 6016], sizes = [1, 128], strides = [1, 1]} : vector<1x7168xf32> to vector<1x128xf32>
    %mul3A_303 = vector.broadcast %slice3A_302 : vector<1x128xf32> to vector<1024x128xf32>
    %mul3A_304 = arith.mulf %slice3A_301, %mul3A_303 : vector<1024x128xf32>
    %exp23A_305 = math.exp2 %mul3A_304 : vector<1024x128xf32>
    %add3A_306 = arith.addf %add3A_300, %exp23A_305 : vector<1024x128xf32>
    %slice3A_307 = vector.extract_strided_slice %dot_general3A_20 {offsets = [0, 6144], sizes = [1024, 128], strides = [1, 1]} : vector<1024x7168xf32> to vector<1024x128xf32>
    %slice3A_308 = vector.extract_strided_slice %rsqrt3A {offsets = [0, 6144], sizes = [1, 128], strides = [1, 1]} : vector<1x7168xf32> to vector<1x128xf32>
    %mul3A_309 = vector.broadcast %slice3A_308 : vector<1x128xf32> to vector<1024x128xf32>
    %mul3A_310 = arith.mulf %slice3A_307, %mul3A_309 : vector<1024x128xf32>
    %exp23A_311 = math.exp2 %mul3A_310 : vector<1024x128xf32>
    %add3A_312 = arith.addf %add3A_306, %exp23A_311 : vector<1024x128xf32>
    %slice3A_313 = vector.extract_strided_slice %dot_general3A_20 {offsets = [0, 6272], sizes = [1024, 128], strides = [1, 1]} : vector<1024x7168xf32> to vector<1024x128xf32>
    %slice3A_314 = vector.extract_strided_slice %rsqrt3A {offsets = [0, 6272], sizes = [1, 128], strides = [1, 1]} : vector<1x7168xf32> to vector<1x128xf32>
    %mul3A_315 = vector.broadcast %slice3A_314 : vector<1x128xf32> to vector<1024x128xf32>
    %mul3A_316 = arith.mulf %slice3A_313, %mul3A_315 : vector<1024x128xf32>
    %exp23A_317 = math.exp2 %mul3A_316 : vector<1024x128xf32>
    %add3A_318 = arith.addf %add3A_312, %exp23A_317 : vector<1024x128xf32>
    %slice3A_319 = vector.extract_strided_slice %dot_general3A_20 {offsets = [0, 6400], sizes = [1024, 128], strides = [1, 1]} : vector<1024x7168xf32> to vector<1024x128xf32>
    %slice3A_320 = vector.extract_strided_slice %rsqrt3A {offsets = [0, 6400], sizes = [1, 128], strides = [1, 1]} : vector<1x7168xf32> to vector<1x128xf32>
    %mul3A_321 = vector.broadcast %slice3A_320 : vector<1x128xf32> to vector<1024x128xf32>
    %mul3A_322 = arith.mulf %slice3A_319, %mul3A_321 : vector<1024x128xf32>
    %exp23A_323 = math.exp2 %mul3A_322 : vector<1024x128xf32>
    %add3A_324 = arith.addf %add3A_318, %exp23A_323 : vector<1024x128xf32>
    %slice3A_325 = vector.extract_strided_slice %dot_general3A_20 {offsets = [0, 6528], sizes = [1024, 128], strides = [1, 1]} : vector<1024x7168xf32> to vector<1024x128xf32>
    %slice3A_326 = vector.extract_strided_slice %rsqrt3A {offsets = [0, 6528], sizes = [1, 128], strides = [1, 1]} : vector<1x7168xf32> to vector<1x128xf32>
    %mul3A_327 = vector.broadcast %slice3A_326 : vector<1x128xf32> to vector<1024x128xf32>
    %mul3A_328 = arith.mulf %slice3A_325, %mul3A_327 : vector<1024x128xf32>
    %exp23A_329 = math.exp2 %mul3A_328 : vector<1024x128xf32>
    %add3A_330 = arith.addf %add3A_324, %exp23A_329 : vector<1024x128xf32>
    %slice3A_331 = vector.extract_strided_slice %dot_general3A_20 {offsets = [0, 6656], sizes = [1024, 128], strides = [1, 1]} : vector<1024x7168xf32> to vector<1024x128xf32>
    %slice3A_332 = vector.extract_strided_slice %rsqrt3A {offsets = [0, 6656], sizes = [1, 128], strides = [1, 1]} : vector<1x7168xf32> to vector<1x128xf32>
    %mul3A_333 = vector.broadcast %slice3A_332 : vector<1x128xf32> to vector<1024x128xf32>
    %mul3A_334 = arith.mulf %slice3A_331, %mul3A_333 : vector<1024x128xf32>
    %exp23A_335 = math.exp2 %mul3A_334 : vector<1024x128xf32>
    %add3A_336 = arith.addf %add3A_330, %exp23A_335 : vector<1024x128xf32>
    %slice3A_337 = vector.extract_strided_slice %dot_general3A_20 {offsets = [0, 6784], sizes = [1024, 128], strides = [1, 1]} : vector<1024x7168xf32> to vector<1024x128xf32>
    %slice3A_338 = vector.extract_strided_slice %rsqrt3A {offsets = [0, 6784], sizes = [1, 128], strides = [1, 1]} : vector<1x7168xf32> to vector<1x128xf32>
    %mul3A_339 = vector.broadcast %slice3A_338 : vector<1x128xf32> to vector<1024x128xf32>
    %mul3A_340 = arith.mulf %slice3A_337, %mul3A_339 : vector<1024x128xf32>
    %exp23A_341 = math.exp2 %mul3A_340 : vector<1024x128xf32>
    %add3A_342 = arith.addf %add3A_336, %exp23A_341 : vector<1024x128xf32>
    %slice3A_343 = vector.extract_strided_slice %dot_general3A_20 {offsets = [0, 6912], sizes = [1024, 128], strides = [1, 1]} : vector<1024x7168xf32> to vector<1024x128xf32>
    %slice3A_344 = vector.extract_strided_slice %rsqrt3A {offsets = [0, 6912], sizes = [1, 128], strides = [1, 1]} : vector<1x7168xf32> to vector<1x128xf32>
    %mul3A_345 = vector.broadcast %slice3A_344 : vector<1x128xf32> to vector<1024x128xf32>
    %mul3A_346 = arith.mulf %slice3A_343, %mul3A_345 : vector<1024x128xf32>
    %exp23A_347 = math.exp2 %mul3A_346 : vector<1024x128xf32>
    %add3A_348 = arith.addf %add3A_342, %exp23A_347 : vector<1024x128xf32>
    %slice3A_349 = vector.extract_strided_slice %dot_general3A_20 {offsets = [0, 7040], sizes = [1024, 128], strides = [1, 1]} : vector<1024x7168xf32> to vector<1024x128xf32>
    %slice3A_350 = vector.extract_strided_slice %rsqrt3A {offsets = [0, 7040], sizes = [1, 128], strides = [1, 1]} : vector<1x7168xf32> to vector<1x128xf32>
    %mul3A_351 = vector.broadcast %slice3A_350 : vector<1x128xf32> to vector<1024x128xf32>
    %mul3A_352 = arith.mulf %slice3A_349, %mul3A_351 : vector<1024x128xf32>
    %exp23A_353 = math.exp2 %mul3A_352 : vector<1024x128xf32>
    %add3A_354 = arith.addf %add3A_348, %exp23A_353 : vector<1024x128xf32>
    %get3A_355 = arith.constant 0 : index
    %get3A_356 = arith.constant 0 : index
    %get3A_357 = vector.load %arg3[%get3A_355, %get3A_356] : memref<1024x128xf32, #tpu.memory_space<vmem>>, vector<1024x128xf32>
    %add3A_358 = arith.addf %get3A_357, %add3A_354 : vector<1024x128xf32>
    %swap3A = arith.constant 0 : index
    %swap3A_359 = arith.constant 0 : index
    %swap3A_360 = vector.load %arg3[%swap3A, %swap3A_359] : memref<1024x128xf32, #tpu.memory_space<vmem>>, vector<1024x128xf32>
    tpu.vector_store %arg3[%swap3A, %swap3A_359], %add3A_358 {strides = array<i32>} : memref<1024x128xf32, #tpu.memory_space<vmem>>, vector<1024x128xf32>,
    return
  }
  func.func @transform_0(%arg0: i32) -> (i32, i32) {
    %c0_i32 = arith.constant 0 : i32
    %c0_i32_0 = arith.constant 0 : i32
    %c0_i32_1 = arith.constant 0 : i32
    return %c0_i32, %c0_i32_0 : i32, i32
  }
  func.func @transform_1(%arg0: i32) -> (i32, i32) {
    %c0_i32 = arith.constant 0 : i32
    %c0_i32_0 = arith.constant 0 : i32
    return %arg0, %c0_i32 : i32, i32
  }
  func.func @transform_2(%arg0: i32) -> (i32, i32) {
    %c0_i32 = arith.constant 0 : i32
    %c0_i32_0 = arith.constant 0 : i32
    %c0_i32_1 = arith.constant 0 : i32
    return %c0_i32, %c0_i32_0 : i32, i32
  }
}

module attributes {stable_mosaic.version = 14 : i64} {
  func.func @_epilogue_kernel(%arg0: memref<1024x128xf32, #tpu.memory_space<vmem>>, %arg1: memref<1024x128xf32, #tpu.memory_space<vmem>>, %arg2: memref<1024x128xf32, #tpu.memory_space<vmem>>, %arg3: memref<1x1xf32, #tpu.memory_space<vmem>>) attributes {dimension_semantics = [], scalar_prefetch = 0 : i64, scratch_operands = 0 : i64, tpu.core_type = #tpu.core_type<tc>} {
    %get3A = arith.constant 0 : index
    %get3A_0 = arith.constant 0 : index
    %get3A_1 = vector.load %arg0[%get3A, %get3A_0] : memref<1024x128xf32, #tpu.memory_space<vmem>>, vector<1024x128xf32>
    %mul3A = arith.mulf %get3A_1, %get3A_1 : vector<1024x128xf32>
    %reduce_sum3A = arith.constant dense<0.000000e+00> : vector<1024xf32>
    %reduce_sum3A_2 = vector.multi_reduction <add>, %mul3A, %reduce_sum3A [1] : vector<1024x128xf32> to vector<1024xf32>
    %broadcast_in_dim3A = vector.shape_cast %reduce_sum3A_2 : vector<1024xf32> to vector<1024x1xf32>
    %sqrt3A = math.sqrt %broadcast_in_dim3A : vector<1024x1xf32>
    %mul3A_3 = arith.constant 92.3324813 : f32
    %mul3A_4 = vector.broadcast %mul3A_3 : f32 to vector<1024x128xf32>
    %mul3A_5 = arith.mulf %mul3A_4, %get3A_1 : vector<1024x128xf32>
    %max3A = arith.constant 9.99999996E-13 : f32
    %max3A_6 = vector.broadcast %max3A : f32 to vector<1024x1xf32>
    %max3A_7 = arith.maximumf %sqrt3A, %max3A_6 : vector<1024x1xf32>
    %div3A = vector.broadcast %max3A_7 : vector<1024x1xf32> to vector<1024x128xf32>
    %div3A_8 = arith.divf %mul3A_5, %div3A : vector<1024x128xf32>
    %get3A_9 = arith.constant 0 : index
    %get3A_10 = arith.constant 0 : index
    %get3A_11 = vector.load %arg1[%get3A_9, %get3A_10] : memref<1024x128xf32, #tpu.memory_space<vmem>>, vector<1024x128xf32>
    %mul3A_12 = arith.mulf %get3A_11, %get3A_11 : vector<1024x128xf32>
    %reduce_sum3A_13 = arith.constant dense<0.000000e+00> : vector<1024xf32>
    %reduce_sum3A_14 = vector.multi_reduction <add>, %mul3A_12, %reduce_sum3A_13 [1] : vector<1024x128xf32> to vector<1024xf32>
    %broadcast_in_dim3A_15 = vector.shape_cast %reduce_sum3A_14 : vector<1024xf32> to vector<1024x1xf32>
    %max3A_16 = arith.constant 1.000000e-24 : f32
    %max3A_17 = vector.broadcast %max3A_16 : f32 to vector<1024x1xf32>
    %max3A_18 = arith.maximumf %broadcast_in_dim3A_15, %max3A_17 : vector<1024x1xf32>
    %rsqrt3A = math.rsqrt %max3A_18 : vector<1024x1xf32>
    %mul3A_19 = vector.broadcast %rsqrt3A : vector<1024x1xf32> to vector<1024x128xf32>
    %mul3A_20 = arith.mulf %get3A_11, %mul3A_19 : vector<1024x128xf32>
    %mul3A_21 = arith.mulf %div3A_8, %mul3A_20 : vector<1024x128xf32>
    %reduce_sum3A_22 = arith.constant dense<0.000000e+00> : vector<1024xf32>
    %reduce_sum3A_23 = vector.multi_reduction <add>, %mul3A_21, %reduce_sum3A_22 [1] : vector<1024x128xf32> to vector<1024xf32>
    %broadcast_in_dim3A_24 = vector.shape_cast %reduce_sum3A_23 : vector<1024xf32> to vector<1024x1xf32>
    %get3A_25 = arith.constant 0 : index
    %get3A_26 = arith.constant 0 : index
    %get3A_27 = vector.load %arg2[%get3A_25, %get3A_26] : memref<1024x128xf32, #tpu.memory_space<vmem>>, vector<1024x128xf32>
    %reduce_sum3A_28 = arith.constant dense<0.000000e+00> : vector<1024xf32>
    %reduce_sum3A_29 = vector.multi_reduction <add>, %get3A_27, %reduce_sum3A_28 [1] : vector<1024x128xf32> to vector<1024xf32>
    %broadcast_in_dim3A_30 = vector.shape_cast %reduce_sum3A_29 : vector<1024xf32> to vector<1024x1xf32>
    %sub3A = arith.constant 3.520000e+02 : f32
    %sub3A_31 = vector.broadcast %sub3A : f32 to vector<1024x1xf32>
    %sub3A_32 = arith.subf %broadcast_in_dim3A_30, %sub3A_31 : vector<1024x1xf32>
    %exp23A = math.exp2 %broadcast_in_dim3A_24 : vector<1024x1xf32>
    %mul3A_33 = arith.constant 0.0108304247 : f32
    %mul3A_34 = vector.broadcast %mul3A_33 : f32 to vector<1024x1xf32>
    %mul3A_35 = arith.mulf %broadcast_in_dim3A_24, %mul3A_34 : vector<1024x1xf32>
    %jit3A = arith.constant -0.99999988 : f32
    %jit3A_36 = arith.constant 0.99999988 : f32
    %max3A_37 = vector.broadcast %jit3A : f32 to vector<1024x1xf32>
    %max3A_38 = arith.maximumf %max3A_37, %mul3A_35 : vector<1024x1xf32>
    %min3A = vector.broadcast %jit3A_36 : f32 to vector<1024x1xf32>
    %min3A_39 = arith.minimumf %min3A, %max3A_38 : vector<1024x1xf32>
    %mul3A_40 = arith.constant 0.87758255 : f32
    %mul3A_41 = vector.broadcast %mul3A_40 : f32 to vector<1024x1xf32>
    %mul3A_42 = arith.mulf %min3A_39, %mul3A_41 : vector<1024x1xf32>
    %mul3A_43 = arith.mulf %min3A_39, %min3A_39 : vector<1024x1xf32>
    %sub3A_44 = arith.constant 1.000000e+00 : f32
    %sub3A_45 = vector.broadcast %sub3A_44 : f32 to vector<1024x1xf32>
    %sub3A_46 = arith.subf %sub3A_45, %mul3A_43 : vector<1024x1xf32>
    %max3A_47 = arith.constant 0.000000e+00 : f32
    %max3A_48 = vector.broadcast %max3A_47 : f32 to vector<1024x1xf32>
    %max3A_49 = arith.maximumf %sub3A_46, %max3A_48 : vector<1024x1xf32>
    %sqrt3A_50 = math.sqrt %max3A_49 : vector<1024x1xf32>
    %mul3A_51 = arith.constant 0.47942555 : f32
    %mul3A_52 = vector.broadcast %mul3A_51 : f32 to vector<1024x1xf32>
    %mul3A_53 = arith.mulf %sqrt3A_50, %mul3A_52 : vector<1024x1xf32>
    %sub3A_54 = arith.subf %mul3A_42, %mul3A_53 : vector<1024x1xf32>
    %lt3A = arith.constant -0.87758249 : f32
    %lt3A_55 = vector.broadcast %lt3A : f32 to vector<1024x1xf32>
    %lt3A_56 = arith.cmpf olt, %min3A_39, %lt3A_55 : vector<1024x1xf32>
    %jit3A_57 = arith.constant -1.000000e+00 : f32
    %broadcast_in_dim3A_58 = vector.broadcast %jit3A_57 : f32 to vector<1024x1xf32>
    %select_n3A = arith.select %lt3A_56, %broadcast_in_dim3A_58, %sub3A_54 : vector<1024x1xi1>, vector<1024x1xf32>
    %sub3A_59 = arith.subf %sub3A_32, %exp23A : vector<1024x1xf32>
    %mul3A_60 = arith.constant 92.3324813 : f32
    %mul3A_61 = vector.broadcast %mul3A_60 : f32 to vector<1024x1xf32>
    %mul3A_62 = arith.mulf %mul3A_61, %select_n3A : vector<1024x1xf32>
    %exp23A_63 = math.exp2 %mul3A_62 : vector<1024x1xf32>
    %add3A = arith.addf %sub3A_59, %exp23A_63 : vector<1024x1xf32>
    %mul3A_64 = arith.constant 6.400000e+01 : f32
    %mul3A_65 = vector.broadcast %mul3A_64 : f32 to vector<1024x1xf32>
    %mul3A_66 = arith.mulf %mul3A_65, %select_n3A : vector<1024x1xf32>
    %log3A = math.log %add3A : vector<1024x1xf32>
    %sub3A_67 = arith.subf %mul3A_66, %log3A : vector<1024x1xf32>
    %max3A_68 = arith.constant -69.0775528 : f32
    %max3A_69 = vector.broadcast %max3A_68 : f32 to vector<1024x1xf32>
    %max3A_70 = arith.maximumf %sub3A_67, %max3A_69 : vector<1024x1xf32>
    %reduce_sum3A_71 = vector.shape_cast %max3A_70 : vector<1024x1xf32> to vector<1x1024x1xf32>
    %reduce_sum3A_72 = arith.constant dense<0.000000e+00> : vector<1xf32>
    %reduce_sum3A_73 = vector.multi_reduction <add>, %reduce_sum3A_71, %reduce_sum3A_72 [1, 2] : vector<1x1024x1xf32> to vector<1xf32>
    %reduce_sum3A_74 = vector.shape_cast %reduce_sum3A_73 : vector<1xf32> to vector<1x1x1xf32>
    %reduce_sum3A_75 = vector.extract %reduce_sum3A_74[0, 0, 0] : f32 from vector<1x1x1xf32>
    %broadcast_in_dim3A_76 = vector.broadcast %reduce_sum3A_75 : f32 to vector<1x1xf32>
    %neg3A = arith.constant 0.000000e+00 : f32
    %neg3A_77 = vector.broadcast %neg3A : f32 to vector<1x1xf32>
    %neg3A_78 = arith.subf %neg3A_77, %broadcast_in_dim3A_76 : vector<1x1xf32>
    %div3A_79 = arith.constant 1.024000e+03 : f32
    %div3A_80 = vector.broadcast %div3A_79 : f32 to vector<1x1xf32>
    %div3A_81 = arith.divf %neg3A_78, %div3A_80 : vector<1x1xf32>
    %swap3A = arith.constant 0 : index
    %swap3A_82 = arith.constant 0 : index
    %swap3A_83 = vector.load %arg3[%swap3A, %swap3A_82] : memref<1x1xf32, #tpu.memory_space<vmem>>, vector<1x1xf32>
    tpu.vector_store %arg3[%swap3A, %swap3A_82], %div3A_81 {strides = array<i32>} : memref<1x1xf32, #tpu.memory_space<vmem>>, vector<1x1xf32>,
    return
  }
}

</mosaic_0001>

<sc_bundles>
// kernel: kernel.5.cloned.1.call-start
scs
__scs_entry_jumppad:
0x0: {  	(pc) =	sbr.rel $0x88, $3  }
0x1: {  	(tag) =	ssettag $0x0;
	lr =	simm.s32 $0x1  }
0x2: {  	[smem:$0x3F9E] =	sst lr;
	_ =	strace $0xD0000000  }
0x3: {  	_ = 	snop  }
0x4: {  	_ = 	snop  }
0x5: {  	_ = 	snop  }
0x6: {  	_ = 	snop  }
0x7: {  	_ = 	snop  }
__scs_overlays_trampoline_lowered:
0x8: {  	[smem:$0x3FAD] =	sst s0  }
0x9: {  	[smem:$0x3FAE] =	sst s1  }
0xa: {  	[smem:$0x3FAF] =	sst s2  }
0xb: {  	[smem:$0x3FB0] =	sst s3  }
0xc: {  	[smem:$0x3FB1] =	sst s4  }
0xd: {  	[smem:$0x3FB2] =	sst s5  }
0xe: {  	[smem:$0x3FB3] =	sst s6  }
0xf: {  	[smem:$0x3FB4] =	sst s7  }
0x10: {  	[smem:$0x3FB5] =	sst s8  }
0x11: {  	[smem:$0x3FB6] =	sst s9;
	s0 =	simm.s32 @!p0 $0x0  }
0x12: {  	s1 =	sld [smem:$0x3F9C];
	s0 =	simm.s32 @p0 $0x1  }
0x13: {  	[smem:$0x3FB7] =	sst s0;
	s0 =	simm.s32 @!p1 $0x0  }
0x14: {  	s2 =	sld [smem:$0x3F9B];
	s0 =	simm.s32 @p1 $0x1  }
0x15: {  	[smem:$0x3FB8] =	sst s0;
	s0 =	simm.s32 @!p2 $0x0  }
0x16: {  	s3 =	sld [smem:$0x3FDB];
	s0 =	simm.s32 @p2 $0x1  }
0x17: {  	s4 =	simm.s32 $0x1BF5;
	[smem:$0x3FBA] =	sst s0  }
0x18: {  	s0 =	sld [smem:$0x3F9D];
	_ =	swait.ge [sflag:s4], $0x0  }
0x19: {  	s7 =	sld [smem:$0x3F9E]  }
0x1a: {  	s8 =	sadd.s32 $0xFFFFE003, lr  }
0x1b: {  	s9 =	sadd.s32 $0xFFFFFEF7, lr;
	s5 =	simm.s32 $0xFFFFFFFF;
	p2 =	slt.u32 s8, $0xFFFFF086  }
0x1c: {  	p1 =	slt.u32 s9, $0xF7A;
	s5 =	simm.s32 @!p2 $0x0  }
0x1d: {  	s5 =	simm.s32 @p1 $0x1;
	p0 =	seq.s32 s7, s2  }
0x1e: {  	s7 =	smul.u32 @!p0 $0xF7A, s2;
	p2 =	seq.s32 @!p0 s5, $0x0  }
0x1f: {  	s9 =	smul.u32 $0xF7A, s1;
	s8 =	simm.s32 @!p0 $0x1BF5;
	p2 =	por !p2, p0  }
0x20: {  	[sflag:s8] =	ssyncset.s32 @!p0 $0xFFFFF086;
	s6 =	sadd.s32 @!p0 s3, s7;
	s7 =	simm.s32 @!p0 $0x108  }
0x21: {  	s3 =	sadd.s32 s3, s9;
	s6 =	sadd.s32 @!p0 $0x88, s6;
	s7 =	simm.s32 @p2 $0x1082  }
0x22: {  	[simem:s7], [sflag:s8] =	dma.local @!p0 [hbm:s6], $0xF7A  }
0x23: {  	s9 =	sor.u32 $0xD0000000, s2;
	s6 =	simm.s32 $0x108;
	_ =	swait.ge @!p0 [sflag:s8], $0x0  }
0x24: {  	s3 =	sadd.s32 $0x88, s3;
	s6 =	simm.s32 @!p1 $0x1082;
	[sflag:s4] =	ssyncset.s32 $0xFFFFF086  }
0x25: {  	[simem:s6], [sflag:s4] =	dma.local [hbm:s3], $0xF7A  }
0x26: {  	[smem:$0x3F9E] =	sst s1;
	(tag) =	ssettag s2;
	_ =	strace s9  }
0x27: {  	s1 =	sld [smem:$0x3FAE]  }
0x28: {  	s2 =	sld [smem:$0x3FAF]  }
0x29: {  	s4 =	sld [smem:$0x3FB1]  }
0x2a: {  	p0 =	seq.s32 s5, $0x0;
	s5 =	sld [smem:$0x3FB2]  }
0x2b: {  	s6 =	sld [smem:$0x3FB3]  }
0x2c: {  	s7 =	sld [smem:$0x3FB4]  }
0x2d: {  	s3 =	simm.s32 $0x108;
	s8 =	sld [smem:$0x3FB5]  }
0x2e: {  	s3 =	simm.s32 @!p0 $0x1082;
	s9 =	sld [smem:$0x3FB6]  }
0x2f: {  	lr =	sadd.s32 s0, s3;
	s0 =	sld [smem:$0x3FAD]  }
0x30: {  	s3 =	sld [smem:$0x3FB0]  }
0x31: {  	[smem:$0x3FB9] =	sst s10  }
0x32: {  	s10 =	sld [smem:$0x3FB7];
	_ =	sdelay $0x3  }
0x33: {  	p0 =	seq.s32 s10, $0x1;
	s10 =	sld [smem:$0x3FB9];
	_ =	sdelay $0x3  }
0x34: {  	[smem:$0x3FB9] =	sst s10  }
0x35: {  	s10 =	sld [smem:$0x3FB8];
	_ =	sdelay $0x3  }
0x36: {  	p1 =	seq.s32 s10, $0x1;
	s10 =	sld [smem:$0x3FB9];
	_ =	sdelay $0x3  }
0x37: {  	[smem:$0x3FB9] =	sst s10  }
0x38: {  	s10 =	sld [smem:$0x3FBA]  }
0x39: {  	_ = 	snop;
	(pc) =	sbr.ind lr, $3  }
0x3a: {  	_ = 	snop  }
0x3b: {  	_ = 	snop  }
0x3c: {  	p2 =	seq.s32 s10, $0x1;
	s10 =	sld [smem:$0x3FB9]  }
0x3d: {  	_ =	shalt  }
0x3e: {  	_ =	shalt  }
0x3f: {  	_ =	shalt  }
0x40: {  	_ =	shalt  }
0x41: {  	_ =	shalt  }
0x42: {  	_ =	shalt  }
0x43: {  	_ =	shalt  }
0x44: {  	_ =	shalt  }
0x45: {  	_ =	shalt  }
0x46: {  	_ =	shalt  }
0x47: {  	_ =	shalt  }
0x48: {  	_ =	shalt  }
0x49: {  	_ =	shalt  }
0x4a: {  	_ =	shalt  }
0x4b: {  	_ =	shalt  }
0x4c: {  	_ =	shalt  }
0x4d: {  	_ =	shalt  }
0x4e: {  	_ =	shalt  }
0x4f: {  	_ =	shalt  }
0x50: {  	_ =	shalt  }
0x51: {  	_ =	shalt  }
0x52: {  	_ =	shalt  }
0x53: {  	_ =	shalt  }
0x54: {  	_ =	shalt  }
0x55: {  	_ =	shalt  }
0x56: {  	_ =	shalt  }
0x57: {  	_ =	shalt  }
0x58: {  	_ =	shalt  }
0x59: {  	_ =	shalt  }
0x5a: {  	_ =	shalt  }
0x5b: {  	_ =	shalt  }
0x5c: {  	_ =	shalt  }
0x5d: {  	_ =	shalt  }
0x5e: {  	_ =	shalt  }
0x5f: {  	_ =	shalt  }
0x60: {  	_ =	shalt  }
0x61: {  	_ =	shalt  }
0x62: {  	_ =	shalt  }
0x63: {  	_ =	shalt  }
0x64: {  	_ =	shalt  }
0x65: {  	_ =	shalt  }
0x66: {  	_ =	shalt  }
0x67: {  	_ =	shalt  }
0x68: {  	_ =	shalt  }
0x69: {  	_ =	shalt  }
0x6a: {  	_ =	shalt  }
0x6b: {  	_ =	shalt  }
0x6c: {  	_ =	shalt  }
0x6d: {  	_ =	shalt  }
0x6e: {  	_ =	shalt  }
0x6f: {  	_ =	shalt  }
0x70: {  	_ =	shalt  }
0x71: {  	_ =	shalt  }
0x72: {  	_ =	shalt  }
0x73: {  	_ =	shalt  }
0x74: {  	_ =	shalt  }
0x75: {  	_ =	shalt  }
0x76: {  	_ =	shalt  }
0x77: {  	_ =	shalt  }
0x78: {  	_ =	shalt  }
0x79: {  	_ =	shalt  }
0x7a: {  	_ =	shalt  }
0x7b: {  	_ =	shalt  }
0x7c: {  	_ =	shalt  }
0x7d: {  	_ =	shalt  }
0x7e: {  	_ =	shalt  }
0x7f: {  	_ =	shalt  }
0x80: {  	_ =	shalt  }
0x81: {  	_ =	shalt  }
0x82: {  	_ =	shalt  }
0x83: {  	_ =	shalt  }
0x84: {  	_ =	shalt  }
0x85: {  	_ =	shalt  }
0x86: {  	_ =	shalt  }
0x87: {  	_ =	shalt  }
.Lfunc_end0:
.L_simem_size_0:
called_computation_lowered:
.L_overlay_start_0:
0x88: {  	s2 =	sld [smem:$0x3FD9]  }
0x89: {  	s3 =	sld [smem:$0x3FFE];
	_ =	sdelay $0x1  }
0x8a: {  	s1 =	srdreg.scid  }
0x8b: {  	s0 =	sand.u32 $0x1, s1  }
0x8c: {  	s17 =	sshll.u32 s0, $0xA;
	s2 =	sadd.s32 s3, s2  }
0x8d: {  	s2 =	sadd.s32 s2, s17  }
0x8e: {  	[smem:$0x3FC5] =	sst s2  }
0x8f: {  	_ = 	snop  }
0x90: {  	s2 =	sld [smem:$0x3FC8]  }
0x91: {  	s18 =	sld [smem:$0x3FC7];
	(tm) =	ssettm $0x1  }
0x92: {  	s4 =	sld [smem:$0x3FFB];
	_ =	sdelay $0x3  }
0x93: {  	_ =	strace s4  }
0x94: {  	s4 =	sld [smem:$0x3FFC];
	_ =	sdelay $0x3  }
0x95: {  	_ =	strace s4  }
0x96: {  	s4 =	sld [smem:$0x3FFD];
	_ =	sdelay $0x3  }
0x97: {  	_ =	strace s4  }
0x98: {  	_ =	strace $0x8FFFFFFF  }
0x99: {  	s19 =	sld [smem:$0x3FDB];
	_ =	sdelay $0x1  }
0x9a: {  	s5 =	simm.s32 $_scs_section_size  }
0x9b: {  	s6 =	simm.s32 $_size__tile_overlayer_lowered;
	s7 =	simm.s32 $_tile_overlayer_lowered  }
0x9c: {  	s22 =	simm.s32 $0x1BFF;
	s21 =	sshll.u32 s7, $0x1;
	s4 =	sadd.s32 s5, s19  }
0x9d: {  	s8 =	simm.s32 $0x0;
	s20 =	sshll.u32 s6, $0x1;
	s6 =	sadd.s32 s21, s4  }
0x9e: {  	[timem:s8], [sflag:s22] =	dma.local [hbm:s6], s20  }
0x9f: {  	_ =	swait.ge [sflag:s22], s20  }
0xa0: {  	s5 =	ssub.s32 $0x0, s20;
	[sflag:s22] =	ssyncset.done $0x0  }
0xa1: {  	[sflag:s22] =	ssyncadd.s32 s5;
	_ =	sdelay $0x1  }
0xa2: {  	s23 =	simm.s32 $0x1B8B  }
0xa3: {  	_ =	swait.ge [sflag:s23], $0x1  }
0xa4: {  	[sflag:s23] =	ssyncset.done $0x0  }
0xa5: {  	s25 =	simm.s32 $0x1B8E;
	s24 =	sld [smem:$0x3FFE];
	[sflag:s23] =	ssyncadd.s32 $0xFFFFFFFF  }
0xa6: {  	s26 =	simm.s32 $execute0_lowered;
	[smem:$0x3FD2] =	sst s25  }
0xa7: {  	s6 =	sshll.u32 s26, $0x1;
	_ =	strace $0x80000046;
	[dreg:$0x1] =	wrdreg $0xFFFFFFFF  }
0xa8: {  	s28 =	simm.s32 $_size_execute0_lowered;
	s4 =	sadd.s32 s4, s6;
	[dreg:$0x0] =	wrdreg $0x0  }
0xa9: {  	s6 =	sshll.u32 s28, $0x1;
	[dreg:$0x2] =	wrdreg s4  }
0xaa: {  	[dreg:$0x3] =	wrdreg s6  }
0xab: {  	[dreg:$0x4] =	wrdreg $0xC0  }
0xac: {  	_ =	task [dreg:s8], $0x5FFFF  }
0xad: {  	[dreg:$0x1] =	wrdreg $0xFFFFFFFF  }
0xae: {  	[dreg:$0x0] =	wrdreg $0x60  }
0xaf: {  	[dreg:$0x2] =	wrdreg s18  }
0xb0: {  	[dreg:$0x3] =	wrdreg s2  }
0xb1: {  	[dreg:$0x4] =	wrdreg s24  }
0xb2: {  	[dreg:$0x5] =	wrdreg $0x9  }
0xb3: {  	_ =	task.clear_ibuf [dreg:s8], $0x6FFFF;
	_ =	strace $0x90000046  }
0xb4: {  	s29 =	simm.s32 $0x9;
	_ =	strace $0x80000048  }
0xb5: {  	_ =	swait.ge [sflag:s29], $0x1  }
0xb6: {  	[sflag:s29] =	ssyncadd.s32 $0xFFFFFFFF  }
0xb7: {  	_ =	strace $0x90000048  }
0xb8: {  	_ =	sfence  }
0xb9: {  	s30 =	sld [smem:$0x0];
	_ =	sdelay $0x2  }
0xba: {  	s31 =	sshll.u32 s1, $0xD;
	s1 =	sshrl.u32 s1, $0x2  }
0xbb: {  	s3 =	sand.u32 $0x4000, s31;
	s1 =	sadd.s32 s1, s30  }
0xbc: {  	s0 =	sor.u32 s3, s0;
	s1 =	sshll.u32 s1, $0x11  }
0xbd: {  	s0 =	sor.u32 s1, s0  }
0xbe: {  	s0 =	sadd.s32 $0x8F2B, s0  }
0xbf: {  	[sflag:s0] =	ssyncadd.remote.s32 $0x1  }
0xc0: {  	_ =	sfence.sel $0xFFFF  }
0xc1: {  	[dreg:$0x0] =	wrdreg $0xFFFFFFFF;
	(pc) =	sbr.abs _section_cstart, $3  }
0xc2: {  	[dreg:$0x1] =	wrdreg $0xFFFFFFFF  }
0xc3: {  	_ =	task.clear_ibuf [dreg:s8], $0x2FFFF;
	_ =	strace $0x9FFFFFFF  }
0xc4: {  	(tm) =	ssettm $0x7FFFFFFF  }
0xc5: {  	_ =	shalt  }
tec
execute0_lowered:
.L_overlay_start_1:
0x0: {  	(tag) =	ssettag $0x1  }
0x1: {  	s1 =	rddreg [dreg:$0x0];
	s2 =	srdreg.scid  }
0x2: {  	s4 =	rddreg [dreg:$0x1];
	s0 =	stileid.u32  }
0x3: {  	s9 =	rddreg [dreg:$0x2];
	s3 =	simm.s32 $0x0;
	s6 =	sand.u32 $0x1, s2  }
0x4: {  	s5 =	sshll.u32 s0, $0x6;
	s2 =	rddreg [dreg:$0x3];
	s7 =	sshll.u32 s6, $0x5  }
0x5: {  	s8 =	simm.s32 $0x1;
	[smem:$0x7FF] =	sst s3;
	s10 =	sor.u32 s7, s5  }
0x6: {  	_ =	strace $0x80000047;
	s11 =	ssub.s32 $0x2, s6;
	s5 =	sshrl.u32 s10, $0x3  }
0x7: {  	s6 =	simm.s32 $0x20;
	s5 =	sadd.s32 s4, s5;
	s4 =	simm.s32 $0x2  }
0x8: {  	[tilespmem:s3], [sflag:$0x2] =	stream.linear.gather [hbm4b:s5+s3], $0x20, $0x38;
	[tilespmem:$0x1080] =	vst v63  }
0x9: {  	s7 =	simm.s32 $0x80;
	s12 =	sshrl.u32 s11, $0x1;
	_ =	swait.ge [sflag:s4], $0x20  }
0xa: {  	s10 =	sshll.u32 s10, $0x4;
	s31 =	ssub.s32 s11, s12;
	[sflag:s4] =	ssyncset.done $0x0  }
0xb: {  	s9 =	sadd.s32 s10, s9;
	s10 =	smax.u32 s31, $0x1;
	[sflag:s4] =	ssyncadd.s32 $0xFFFFFFE0  }
0xc: {  	[tilespmem:s7], [sflag:$0x1] =	stream.indirect.gather [hbm4b:s1+s6], $0x80, s3, s6, $0xb8;
	[tilespmem:$0x1080] =	vst v63  }
0xd: {  	p0 =	sne.s32 s10, $0x1;
	_ =	swait.ge [sflag:s8], $0x1000  }
.Ltmp0:
0xe: {  	[sflag:s8] =	ssyncset.done $0x0;
	(pc) =	sbr.rel @!p0 .LBB2_2-.Ltmp0, $4  }
0xf: {  	s9 =	sadd.s32 $0x800, s9;
	[sflag:s8] =	ssyncadd.s32 $0xFFFFF000  }
0x10: {  	[hbm4b:s9+s3] =	stream.linear.scatter [tilespmem:s7], [sflag:$0x2], $0x1000, $0x38;
	[tilespmem:$0x1080] =	vst v63  }
0x11: {  	_ =	swait.ge [sflag:s4], $0x1000  }
0x12: {  	s10 =	sadd.s32 $0xFFFFFFFF, s10;
	[sflag:s4] =	ssyncset.done $0x0  }
.LBB2_1:
0x13: {  	p0 =	sne.s32 s10, $0x1;
	s10 =	sadd.s32 $0xFFFFFFFF, s10;
	[sflag:s4] =	ssyncadd.s32 $0xFFFFF000  }
0x14: {  	[tilespmem:s3], [sflag:$0x2] =	stream.linear.gather [hbm4b:s5+s3], $0x20, $0x38;
	[tilespmem:$0x1080] =	vst v63  }
0x15: {  	_ =	swait.ge [sflag:s4], $0x20  }
0x16: {  	[sflag:s4] =	ssyncset.done $0x0  }
0x17: {  	[sflag:s4] =	ssyncadd.s32 $0xFFFFFFE0  }
0x18: {  	[tilespmem:s7], [sflag:$0x1] =	stream.indirect.gather [hbm4b:s1+s6], $0x80, s3, s6, $0xb8;
	[tilespmem:$0x1080] =	vst v63  }
0x19: {  	_ =	swait.ge [sflag:s8], $0x1000  }
.Ltmp1:
0x1a: {  	[sflag:s8] =	ssyncset.done $0x0;
	(pc) =	sbr.rel @p0 .LBB2_1-.Ltmp1, $4  }
0x1b: {  	[sflag:s8] =	ssyncadd.s32 $0xFFFFF000  }
0x1c: {  	[hbm4b:s9+s3] =	stream.linear.scatter [tilespmem:s7], [sflag:$0x2], $0x1000, $0x38;
	[tilespmem:$0x1080] =	vst v63  }
0x1d: {  	_ =	swait.ge [sflag:s4], $0x1000  }
0x1e: {  	[sflag:s4] =	ssyncset.done $0x0  }
.LBB2_2:
0x1f: {  	[sflag:s4] =	ssyncadd.s32 $0xFFFFF000  }
0x20: {  	_ =	sfence.sel $0x180000  }
0x21: {  	[bflag:$0x0] =	sbarrier.arrive $0xFFFF  }
0x22: {  	p0 =	sne.s32 s0, $0x0;
	_ =	strace $0x90000047  }
0x23: {  	s0 =	sadd.s32 @!p0 $0x100000, s2;
	[bflag:$0x2] =	sbarrier.arrive $0xFFFF  }
0x24: {  	[sflag:s0] =	ssyncadd.tile.s32 @!p0 $0x1;
	_ =	shalt  }
.Lfunc_end2:
_tile_overlayer_lowered:
.L_overlay_start_2:
0x25: {  	(tag) =	ssettag $0x2  }
0x26: {  	s0 =	rddreg [dreg:$0x0];
	s2 =	stileid.u32  }
0x27: {  	s1 =	rddreg [dreg:$0x1];
	p0 =	sne.s32 s2, $0x0  }
0x28: {  	s3 =	rddreg [dreg:$0x2];
	[bflag:$0x3] =	sbarrier.arrive $0xFFFF;
	s2 =	simm.s32 @!p0 $0x1C02  }
0x29: {  	[timem:s3], [sflag:s2] =	dma.local @!p0 [hbm:s0], s1  }
0x2a: {  	s0 =	simm.s32 @!p0 $0x2  }
0x2b: {  	_ =	swait.ge @!p0 [sflag:s0], s1  }
0x2c: {  	s1 =	ssub.s32 @!p0 $0x0, s1;
	[sflag:s0] =	ssyncset.done @!p0 $0x0  }
0x2d: {  	[sflag:s0] =	ssyncadd.s32 @!p0 s1  }
0x2e: {  	[bflag:$0x3] =	sbarrier.arrive $0xFFFF  }
0x2f: {  	_ =	shalt  }

</sc_bundles>
